<compile_context>
chip_gen: v7x
topology: tpu7x:2x2x1
jax: 0.10.2.dev20260603
libtpu: 0.0.44.dev20260713+nightly
codegen_flags: <defaults>
</compile_context>

<pallas_src>
import functools

import jax
import jax.numpy as jnp
from jax import lax
from jax.experimental import pallas as pl
from jax.experimental.pallas import tpu as pltpu
from jax.experimental.pallas import tpu_sc as plsc

N = 10000
HID = 16
OUT_DIM = 64
EPS = 1e-5

NC, NS, LANES = 2, 16, 16
NW = NC * NS
CHUNK = 128
RPS = 632
NPAD = NS * RPS


def _worker_range(wid, cn):
    start = wid * cn // NW
    end = (wid + 1) * cn // NW
    return start, end


def _sc_degree(dst_idx):
    CN = dst_idx.shape[0]
    MAXCH = -(-CN // NW)
    mesh = plsc.VectorSubcoreMesh(core_axis_name="c", subcore_axis_name="s",
                                  num_cores=NC, num_subcores=NS)

    @functools.partial(
        pl.kernel, mesh=mesh,
        out_type=jax.ShapeDtypeStruct((NC, NPAD, LANES), jnp.float32),
        scratch_types=[
            pltpu.VMEM((MAXCH, CHUNK), jnp.int32),
            pltpu.VMEM((CHUNK, LANES), jnp.float32),
            pltpu.VMEM((RPS, LANES), jnp.float32),
            pltpu.VMEM_SHARED((NPAD, LANES), jnp.float32),
        ],
        compiler_params=pltpu.CompilerParams(use_tc_tiling_on_sc=False))
    def k(dst_hbm, out_hbm, dstv, onesb, zbuf, acc):
        c = lax.axis_index("c")
        s = lax.axis_index("s")
        wid = c * NS + s
        start, end = _worker_range(wid, CN)

        def fill_zero(i, carry):
            zbuf[i, :] = jnp.zeros((LANES,), jnp.float32)
            return carry
        lax.fori_loop(0, RPS, fill_zero, None)

        def fill_one(i, carry):
            onesb[i, :] = jnp.ones((LANES,), jnp.float32)
            return carry
        lax.fori_loop(0, CHUNK, fill_one, None)

        pltpu.sync_copy(zbuf, acc.at[pl.ds(s * RPS, RPS)])
        pltpu.sync_copy(dst_hbm.at[pl.ds(start, MAXCH)], dstv)
        plsc.subcore_barrier()

        def body(j, carry):
            pltpu.sync_copy(onesb, acc.at[dstv.at[j]], add=True)
            return carry
        lax.fori_loop(0, end - start, body, None)

        plsc.subcore_barrier()
        pltpu.sync_copy(acc.at[pl.ds(s * RPS, RPS)],
                        out_hbm.at[c, pl.ds(s * RPS, RPS)])

    return k(dst_idx)


def _sc_scatter_rows(src_idx, dst_idx, table):
    CN = dst_idx.shape[0]
    MAXCH = -(-CN // NW)
    mesh = plsc.VectorSubcoreMesh(core_axis_name="c", subcore_axis_name="s",
                                  num_cores=NC, num_subcores=NS)

    @functools.partial(
        pl.kernel, mesh=mesh,
        out_type=jax.ShapeDtypeStruct((NC, NPAD, LANES), jnp.float32),
        scratch_types=[
            pltpu.VMEM((MAXCH, CHUNK), jnp.int32),
            pltpu.VMEM((MAXCH, CHUNK), jnp.int32),
            pltpu.VMEM((CHUNK, LANES), jnp.float32),
            pltpu.VMEM((RPS, LANES), jnp.float32),
            pltpu.VMEM_SHARED((NPAD, LANES), jnp.float32),
            pltpu.VMEM_SHARED((NPAD, LANES), jnp.float32),
            pltpu.SemaphoreType.DMA,
        ],
        compiler_params=pltpu.CompilerParams(use_tc_tiling_on_sc=False))
    def k(src_hbm, dst_hbm, tab_hbm, out_hbm, srcv, dstv, rows, zbuf,
          acc, tabs, gsem):
        c = lax.axis_index("c")
        s = lax.axis_index("s")
        wid = c * NS + s
        start, end = _worker_range(wid, CN)

        def fill_zero(i, carry):
            zbuf[i, :] = jnp.zeros((LANES,), jnp.float32)
            return carry
        lax.fori_loop(0, RPS, fill_zero, None)

        pltpu.sync_copy(zbuf, acc.at[pl.ds(s * RPS, RPS)])
        pltpu.sync_copy(tab_hbm.at[pl.ds(s * RPS, RPS)],
                        tabs.at[pl.ds(s * RPS, RPS)])
        pltpu.sync_copy(src_hbm.at[pl.ds(start, MAXCH)], srcv)
        pltpu.sync_copy(dst_hbm.at[pl.ds(start, MAXCH)], dstv)
        plsc.subcore_barrier()

        def body(j, carry):
            pltpu.async_copy(tabs.at[srcv.at[j]], rows, gsem).wait()
            pltpu.sync_copy(rows, acc.at[dstv.at[j]], add=True)
            return carry
        lax.fori_loop(0, end - start, body, None)

        plsc.subcore_barrier()
        pltpu.sync_copy(acc.at[pl.ds(s * RPS, RPS)],
                        out_hbm.at[c, pl.ds(s * RPS, RPS)])

    return k(src_idx, dst_idx, table)


def _sc_scatter_scaled(src_idx, dst_idx, h1, dacc):
    CN = dst_idx.shape[0]
    MAXCH = -(-CN // NW)
    mesh = plsc.VectorSubcoreMesh(core_axis_name="c", subcore_axis_name="s",
                                  num_cores=NC, num_subcores=NS)

    @functools.partial(
        pl.kernel, mesh=mesh,
        out_type=jax.ShapeDtypeStruct((NC, NPAD, LANES), jnp.float32),
        scratch_types=[
            pltpu.VMEM((MAXCH, CHUNK), jnp.int32),
            pltpu.VMEM((MAXCH, CHUNK), jnp.int32),
            pltpu.VMEM((CHUNK, LANES), jnp.float32),
            pltpu.VMEM((RPS, LANES), jnp.float32),
            pltpu.VMEM((RPS, LANES), jnp.float32),
            pltpu.VMEM((RPS, LANES), jnp.float32),
            pltpu.VMEM((RPS, LANES), jnp.float32),
            pltpu.VMEM_SHARED((NPAD, LANES), jnp.float32),
            pltpu.VMEM_SHARED((NPAD, LANES), jnp.float32),
            pltpu.SemaphoreType.DMA,
        ],
        compiler_params=pltpu.CompilerParams(use_tc_tiling_on_sc=False))
    def k(src_hbm, dst_hbm, h_hbm, dacc_hbm, out_hbm, srcv, dstv, rows, zbuf,
          abuf, bbuf, hbuf, acc, tabs, gsem):
        c = lax.axis_index("c")
        s = lax.axis_index("s")
        wid = c * NS + s
        start, end = _worker_range(wid, CN)
        sl = pl.ds(s * RPS, RPS)

        def fill_zero(i, carry):
            zbuf[i, :] = jnp.zeros((LANES,), jnp.float32)
            return carry
        lax.fori_loop(0, RPS, fill_zero, None)

        pltpu.sync_copy(zbuf, acc.at[sl])
        pltpu.sync_copy(h_hbm.at[sl], hbuf)
        pltpu.sync_copy(dacc_hbm.at[0, sl], abuf)
        pltpu.sync_copy(dacc_hbm.at[1, sl], bbuf)
        pltpu.sync_copy(src_hbm.at[pl.ds(start, MAXCH)], srcv)
        pltpu.sync_copy(dst_hbm.at[pl.ds(start, MAXCH)], dstv)

        def scale(r, carry):
            deg = abuf[r, :] + bbuf[r, :] + 1.0
            i = lax.bitcast_convert_type(deg, jnp.int32)
            i = jnp.int32(0x5F3759DF) - lax.shift_right_logical(i, 1)
            y = lax.bitcast_convert_type(i, jnp.float32)
            y = y * (1.5 - 0.5 * deg * y * y)
            y = y * (1.5 - 0.5 * deg * y * y)
            y = y * (1.5 - 0.5 * deg * y * y)
            hbuf[r, :] = y * hbuf[r, :]
            return carry
        lax.fori_loop(0, RPS, scale, None)

        pltpu.sync_copy(hbuf, tabs.at[sl])
        plsc.subcore_barrier()

        def body(j, carry):
            pltpu.async_copy(tabs.at[srcv.at[j]], rows, gsem).wait()
            pltpu.sync_copy(rows, acc.at[dstv.at[j]], add=True)
            return carry
        lax.fori_loop(0, end - start, body, None)

        plsc.subcore_barrier()
        pltpu.sync_copy(acc.at[sl], out_hbm.at[c, sl])

    return k(src_idx, dst_idx, h1, dacc)


def _tc_matmul(x, W1):
    def body(x_ref, w_ref, h_ref):
        h = jnp.dot(x_ref[...], w_ref[...], preferred_element_type=jnp.float32)
        h_ref[...] = jnp.concatenate(
            [h, jnp.zeros((NPAD - N, HID), jnp.float32)], axis=0)

    return pl.pallas_call(
        body,
        out_shape=jax.ShapeDtypeStruct((NPAD, HID), jnp.float32),
    )(x, W1)


def _tc_mid(acc, dacc, h1, b, g, be, W):
    def body(a_ref, b2_ref, da_ref, db_ref, h1_ref, bias_ref, g_ref, be_ref,
             w_ref, out_ref):
        rows = lax.broadcasted_iota(jnp.int32, (NPAD, HID), 0)
        valid = rows < N
        deg = da_ref[...] + db_ref[...] + 1.0
        dinv = jnp.where(valid, lax.rsqrt(deg), 0.0)
        s = dinv * (a_ref[...] + b2_ref[...] + dinv * h1_ref[...]) + bias_ref[...]
        sv = jnp.where(valid, s, 0.0)
        mean = jnp.sum(sv, axis=0, keepdims=True) * (1.0 / N)
        d = s - mean
        var = jnp.sum(jnp.where(valid, d * d, 0.0), axis=0, keepdims=True) * (1.0 / N)
        bn = d * lax.rsqrt(var + EPS) * g_ref[...] + be_ref[...]
        h = jnp.where(valid, jnp.maximum(bn, 0.0), 0.0)
        out_ref[...] = dinv * jnp.dot(h, w_ref[...],
                                      preferred_element_type=jnp.float32)

    return pl.pallas_call(
        body,
        out_shape=jax.ShapeDtypeStruct((NPAD, HID), jnp.float32),
    )(acc[0], acc[1], dacc[0], dacc[1], h1, b, g, be, W)


def _tc_final(acc, dacc, dhv, b, g, be, Wfc, bfc):
    def body(a_ref, b2_ref, da_ref, db_ref, dhv_ref, bias_ref, g_ref, be_ref,
             w_ref, bf_ref, out_ref):
        rows = lax.broadcasted_iota(jnp.int32, (NPAD, HID), 0)
        valid = rows < N
        deg = da_ref[...] + db_ref[...] + 1.0
        dinv = jnp.where(valid, lax.rsqrt(deg), 0.0)
        s = dinv * (a_ref[...] + b2_ref[...] + dhv_ref[...]) + bias_ref[...]
        sv = jnp.where(valid, s, 0.0)
        mean = jnp.sum(sv, axis=0, keepdims=True) * (1.0 / N)
        d = s - mean
        var = jnp.sum(jnp.where(valid, d * d, 0.0), axis=0, keepdims=True) * (1.0 / N)
        bn = d * lax.rsqrt(var + EPS) * g_ref[...] + be_ref[...]
        h = jnp.maximum(bn[:N], 0.0)
        out_ref[...] = jnp.dot(h, w_ref[...],
                               preferred_element_type=jnp.float32) + bf_ref[...]

    return pl.pallas_call(
        body,
        out_shape=jax.ShapeDtypeStruct((N, OUT_DIM), jnp.float32),
    )(acc[0], acc[1], dacc[0], dacc[1], dhv, b, g, be, Wfc, bfc)


def kernel(x, edge_index, W1, b1, g1, be1, W2, b2, g2, be2, Wfc, bfc):
    E = edge_index.shape[1]
    ei = edge_index.astype(jnp.int32)
    if E % CHUNK:
        padn = CHUNK - E % CHUNK
        ei = jnp.concatenate(
            [ei, jnp.full((2, padn), NPAD - 1, jnp.int32)], axis=1)
    CN = ei.shape[1] // CHUNK
    src = ei[0].reshape(CN, CHUNK)
    dst = ei[1].reshape(CN, CHUNK)

    h1 = _tc_matmul(x, W1)
    dacc = _sc_degree(dst)
    acc1 = _sc_scatter_scaled(src, dst, h1, dacc)
    ht2 = _tc_mid(acc1, dacc, h1, b1.reshape(1, -1), g1.reshape(1, -1),
                  be1.reshape(1, -1), W2)
    acc2 = _sc_scatter_rows(src, dst, ht2)
    out = _tc_final(acc2, dacc, ht2, b2.reshape(1, -1), g2.reshape(1, -1),
                    be2.reshape(1, -1), Wfc, bfc.reshape(1, -1))
    return out

# --- scband reference (transcript-rebuilt; emitter-appended) ---
"""Pipeline reference for scband-gnn-29652454211785 (READ-ONLY COPY).

The authoritative reference and input builder live on the scoring server;
editing this copy changes nothing except your own understanding.
"""

import jax, jax.numpy as jnp
import numpy as np

N_NODES = 10000
E = 320000
IN_DIM = 128
HID = 16
OUT_DIM = 64
EPS = 1e-5


def gcn_conv(x, edge_index, W, b, n_nodes):
    # PyG GCNConv: add self-loops, symmetric normalization, x @ W, scatter-add
    src = edge_index[0]
    dst = edge_index[1]
    loop = jnp.arange(n_nodes, dtype=edge_index.dtype)
    src = jnp.concatenate([src, loop])
    dst = jnp.concatenate([dst, loop])
    ew = jnp.ones(src.shape[0], dtype=x.dtype)
    deg = jnp.zeros(n_nodes, dtype=x.dtype).at[dst].add(ew)
    dinv = jnp.where(deg > 0, deg ** -0.5, 0.0)
    norm = dinv[src] * ew * dinv[dst]
    h = x @ W
    msg = h[src] * norm[:, None]
    out = jnp.zeros((n_nodes, h.shape[1]), dtype=x.dtype).at[dst].add(msg)
    return out + b


def batch_norm(x, gamma, beta):
    # training-mode BatchNorm1d: batch statistics, biased variance
    mean = jnp.mean(x, axis=0)
    var = jnp.mean((x - mean) ** 2, axis=0)
    return (x - mean) / jnp.sqrt(var + EPS) * gamma + beta


def setup_inputs(seed: int = 0) -> dict:
    key = jax.random.key(seed)
    ks = jax.random.split(key, 8)
    x = jax.random.normal(ks[0], (N_NODES, IN_DIM), dtype=jnp.float32)
    edge_index = jax.random.randint(ks[1], (2, E), 0, N_NODES, dtype=jnp.int64)
    W1 = jax.random.normal(ks[2], (IN_DIM, HID), dtype=jnp.float32) * (1.0 / np.sqrt(IN_DIM))
    b1 = jnp.zeros((HID,), dtype=jnp.float32)
    g1 = jnp.ones((HID,), dtype=jnp.float32)
    be1 = jnp.zeros((HID,), dtype=jnp.float32)
    W2 = jax.random.normal(ks[3], (HID, HID), dtype=jnp.float32) * (1.0 / np.sqrt(HID))
    b2 = jnp.zeros((HID,), dtype=jnp.float32)
    g2 = jnp.ones((HID,), dtype=jnp.float32)
    be2 = jnp.zeros((HID,), dtype=jnp.float32)
    Wfc = jax.random.normal(ks[4], (HID, OUT_DIM), dtype=jnp.float32) * (1.0 / np.sqrt(HID))
    bfc = jnp.zeros((OUT_DIM,), dtype=jnp.float32)
    return {"x": x, "edge_index": edge_index, "W1": W1, "b1": b1, "g1": g1, "be1": be1,
            "W2": W2, "b2": b2, "g2": g2, "be2": be2, "Wfc": Wfc, "bfc": bfc}


def reference(x, edge_index, W1, b1, g1, be1, W2, b2, g2, be2, Wfc, bfc):
    n = x.shape[0]
    h = gcn_conv(x, edge_index, W1, b1, n)
    h = batch_norm(h, g1, be1)
    h = jax.nn.relu(h)
    # dropout is identity in eval mode
    h = gcn_conv(h, edge_index, W2, b2, n)
    h = batch_norm(h, g2, be2)
    h = jax.nn.relu(h)
    # batch is None -> no global_mean_pool
    out = h @ Wfc + bfc
    return out

if __name__ == "__main__":
    import jax
    _d = setup_inputs()
    print(jax.jit(kernel)(*tuple(_d.values())))

</pallas_src>

<mosaic_0001>
#map = affine_map<(d0, d1) -> (0, 0)>
#map1 = affine_map<(d0, d1) -> (0, 0, 0)>
module attributes {stable_mosaic.version = 14 : i64} {
  func.func @k(%arg0: i32, %arg1: i32, %arg2: memref<2500x128xi32, #tpu.memory_space<hbm>>, %arg3: memref<2x10112x16xf32, #tpu.memory_space<hbm>>, %arg4: memref<79x128xi32, #tpu.memory_space<vmem>>, %arg5: memref<128x16xf32, #tpu.memory_space<vmem>>, %arg6: memref<632x16xf32, #tpu.memory_space<vmem>>, %arg7: memref<10112x16xf32, #tpu.memory_space<vmem_shared>>) attributes {dimension_semantics = [#tpu.dimension_semantics<core_parallel>, #tpu.dimension_semantics<subcore_parallel>], iteration_bounds = array<i64: 2, 16>, scalar_prefetch = 0 : i64, scratch_operands = 4 : i64, tpu.core_type = #tpu.core_type<sc_vector_subcore>, window_params = [{transform_indices = #map}, {transform_indices = #map1}]} {
    %mul3A = arith.constant 16 : i32
    %mul3A_0 = arith.muli %arg0, %mul3A : i32
    %add3A = arith.addi %mul3A_0, %arg1 : i32
    %mul3A_1 = arith.constant 2500 : i32
    %mul3A_2 = arith.muli %add3A, %mul3A_1 : i32
    %jit3A = arith.constant 32 : i32
    %div3A = arith.divsi %mul3A_2, %jit3A : i32
    %sign3A = arith.constant 0 : i32
    %sign3A_3 = arith.cmpi sgt, %mul3A_2, %sign3A : i32
    %sign3A_4 = arith.extui %sign3A_3 : i1 to i32
    %sign3A_5 = arith.constant 0 : i32
    %sign3A_6 = arith.cmpi slt, %mul3A_2, %sign3A_5 : i32
    %sign3A_7 = arith.extui %sign3A_6 : i1 to i32
    %sign3A_8 = arith.subi %sign3A_4, %sign3A_7 : i32
    %sign3A_9 = arith.constant 0 : i32
    %sign3A_10 = arith.cmpi sgt, %jit3A, %sign3A_9 : i32
    %sign3A_11 = arith.extui %sign3A_10 : i1 to i32
    %sign3A_12 = arith.constant 0 : i32
    %sign3A_13 = arith.cmpi slt, %jit3A, %sign3A_12 : i32
    %sign3A_14 = arith.extui %sign3A_13 : i1 to i32
    %sign3A_15 = arith.subi %sign3A_11, %sign3A_14 : i32
    %ne3A = arith.cmpi ne, %sign3A_8, %sign3A_15 : i32
    %rem3A = arith.remsi %mul3A_2, %jit3A : i32
    %ne3A_16 = arith.constant 0 : i32
    %ne3A_17 = arith.cmpi ne, %rem3A, %ne3A_16 : i32
    %and3A = arith.andi %ne3A, %ne3A_17 : i1
    %sub3A = arith.constant 1 : i32
    %sub3A_18 = arith.subi %div3A, %sub3A : i32
    %select_n3A = arith.select %and3A, %sub3A_18, %div3A : i32
    %add3A_19 = arith.constant 1 : i32
    %add3A_20 = arith.addi %add3A, %add3A_19 : i32
    %mul3A_21 = arith.constant 2500 : i32
    %mul3A_22 = arith.muli %add3A_20, %mul3A_21 : i32
    %jit3A_23 = arith.constant 32 : i32
    %div3A_24 = arith.divsi %mul3A_22, %jit3A_23 : i32
    %sign3A_25 = arith.constant 0 : i32
    %sign3A_26 = arith.cmpi sgt, %mul3A_22, %sign3A_25 : i32
    %sign3A_27 = arith.extui %sign3A_26 : i1 to i32
    %sign3A_28 = arith.constant 0 : i32
    %sign3A_29 = arith.cmpi slt, %mul3A_22, %sign3A_28 : i32
    %sign3A_30 = arith.extui %sign3A_29 : i1 to i32
    %sign3A_31 = arith.subi %sign3A_27, %sign3A_30 : i32
    %sign3A_32 = arith.constant 0 : i32
    %sign3A_33 = arith.cmpi sgt, %jit3A_23, %sign3A_32 : i32
    %sign3A_34 = arith.extui %sign3A_33 : i1 to i32
    %sign3A_35 = arith.constant 0 : i32
    %sign3A_36 = arith.cmpi slt, %jit3A_23, %sign3A_35 : i32
    %sign3A_37 = arith.extui %sign3A_36 : i1 to i32
    %sign3A_38 = arith.subi %sign3A_34, %sign3A_37 : i32
    %ne3A_39 = arith.cmpi ne, %sign3A_31, %sign3A_38 : i32
    %rem3A_40 = arith.remsi %mul3A_22, %jit3A_23 : i32
    %ne3A_41 = arith.constant 0 : i32
    %ne3A_42 = arith.cmpi ne, %rem3A_40, %ne3A_41 : i32
    %and3A_43 = arith.andi %ne3A_39, %ne3A_42 : i1
    %sub3A_44 = arith.constant 1 : i32
    %sub3A_45 = arith.subi %div3A_24, %sub3A_44 : i32
    %select_n3A_46 = arith.select %and3A_43, %sub3A_45, %div3A_24 : i32
    %scan3A = arith.constant 0 : i32
    %scan3A_47 = arith.constant 632 : i32
    %scan3A_48 = arith.addi %scan3A, %scan3A_47 : i32
    %scan3A_49 = arith.constant 1 : i32
    scf.for %scan3A_72 = %scan3A to %scan3A_48 step %scan3A_49  : i32 {
      %broadcast_in_dim3A = arith.constant 0.000000e+00 : f32
      %broadcast_in_dim3A_73 = vector.broadcast %broadcast_in_dim3A : f32 to vector<16xf32>
      %swap3A = arith.index_cast %scan3A_72 : i32 to index
      %swap3A_74 = arith.constant 0 : index
      %swap3A_75 = tpu.vector_load %arg6[%swap3A, %swap3A_74] {strides = array<i32>} : memref<632x16xf32, #tpu.memory_space<vmem>>, vector<1x16xf32>,
      %swap3A_76 = vector.shape_cast %swap3A_75 : vector<1x16xf32> to vector<16xf32>
      %swap3A_77 = vector.shape_cast %broadcast_in_dim3A_73 : vector<16xf32> to vector<1x16xf32>
      tpu.vector_store %arg6[%swap3A, %swap3A_74], %swap3A_77 {strides = array<i32>} : memref<632x16xf32, #tpu.memory_space<vmem>>, vector<1x16xf32>,
    }
    %scan3A_50 = arith.constant 632 : i32
    %scan3A_51 = arith.constant 0 : i32
    %scan3A_52 = arith.constant 128 : i32
    %scan3A_53 = arith.addi %scan3A_51, %scan3A_52 : i32
    %scan3A_54 = arith.constant 1 : i32
    scf.for %scan3A_72 = %scan3A_51 to %scan3A_53 step %scan3A_54  : i32 {
      %broadcast_in_dim3A = arith.constant 1.000000e+00 : f32
      %broadcast_in_dim3A_73 = vector.broadcast %broadcast_in_dim3A : f32 to vector<16xf32>
      %swap3A = arith.index_cast %scan3A_72 : i32 to index
      %swap3A_74 = arith.constant 0 : index
      %swap3A_75 = tpu.vector_load %arg5[%swap3A, %swap3A_74] {strides = array<i32>} : memref<128x16xf32, #tpu.memory_space<vmem>>, vector<1x16xf32>,
      %swap3A_76 = vector.shape_cast %swap3A_75 : vector<1x16xf32> to vector<16xf32>
      %swap3A_77 = vector.shape_cast %broadcast_in_dim3A_73 : vector<16xf32> to vector<1x16xf32>
      tpu.vector_store %arg5[%swap3A, %swap3A_74], %swap3A_77 {strides = array<i32>} : memref<128x16xf32, #tpu.memory_space<vmem>>, vector<1x16xf32>,
    }
    %scan3A_55 = arith.constant 128 : i32
    %mul3A_56 = arith.constant 632 : i32
    %mul3A_57 = arith.muli %arg1, %mul3A_56 : i32
    "tpu.region"() ({
      %run_scoped3A = tpu.sem_alloc : memref<!tpu.dma_semaphore, #tpu.memory_space<semaphore_mem>>
      %dma_start3A = arith.constant 0 : i32
      %dma_start3A_72 = tpu.memref_slice %arg7[%mul3A_57, %dma_start3A] : memref<10112x16xf32, #tpu.memory_space<vmem_shared>> -> memref<632x16xf32, #tpu.memory_space<vmem_shared>>
      %dma_start3A_73 = arith.constant 0 : i32
      %dma_start3A_74 = tpu.memref_slice %arg7[%mul3A_57, %dma_start3A_73] : memref<10112x16xf32, #tpu.memory_space<vmem_shared>> -> memref<632x16xf32, #tpu.memory_space<vmem_shared>>
      tpu.enqueue_dma source(%arg6 : memref<632x16xf32, #tpu.memory_space<vmem>>) target(%dma_start3A_74 : memref<632x16xf32, #tpu.memory_space<vmem_shared>>) target_semaphore(%run_scoped3A : memref<!tpu.dma_semaphore, #tpu.memory_space<semaphore_mem>>)
      %dma_wait3A = arith.constant 0 : i32
      %dma_wait3A_75 = tpu.memref_slice %arg7[%mul3A_57, %dma_wait3A] : memref<10112x16xf32, #tpu.memory_space<vmem_shared>> -> memref<632x16xf32, #tpu.memory_space<vmem_shared>>
      %dma_wait3A_76 = arith.constant 0 : i32
      %dma_wait3A_77 = tpu.memref_slice %arg7[%mul3A_57, %dma_wait3A_76] : memref<10112x16xf32, #tpu.memory_space<vmem_shared>> -> memref<632x16xf32, #tpu.memory_space<vmem_shared>>
      tpu.wait_dma2 semaphore(%run_scoped3A : memref<!tpu.dma_semaphore, #tpu.memory_space<semaphore_mem>>) src(%arg6 : memref<632x16xf32, #tpu.memory_space<vmem>>) dst(%dma_wait3A_77 : memref<632x16xf32, #tpu.memory_space<vmem_shared>>)
      tpu.yield
    }) : () -> ()
    "tpu.region"() ({
      %run_scoped3A = tpu.sem_alloc : memref<!tpu.dma_semaphore, #tpu.memory_space<semaphore_mem>>
      %dma_start3A = arith.constant 0 : i32
      %dma_start3A_72 = tpu.memref_slice %arg2[%select_n3A, %dma_start3A] : memref<2500x128xi32, #tpu.memory_space<hbm>> -> memref<79x128xi32, #tpu.memory_space<hbm>>
      %dma_start3A_73 = arith.constant 0 : i32
      %dma_start3A_74 = tpu.memref_slice %arg2[%select_n3A, %dma_start3A_73] : memref<2500x128xi32, #tpu.memory_space<hbm>> -> memref<79x128xi32, #tpu.memory_space<hbm>>
      tpu.enqueue_dma source(%dma_start3A_74 : memref<79x128xi32, #tpu.memory_space<hbm>>) target(%arg4 : memref<79x128xi32, #tpu.memory_space<vmem>>) target_semaphore(%run_scoped3A : memref<!tpu.dma_semaphore, #tpu.memory_space<semaphore_mem>>)
      %dma_wait3A = arith.constant 0 : i32
      %dma_wait3A_75 = tpu.memref_slice %arg2[%select_n3A, %dma_wait3A] : memref<2500x128xi32, #tpu.memory_space<hbm>> -> memref<79x128xi32, #tpu.memory_space<hbm>>
      %dma_wait3A_76 = arith.constant 0 : i32
      %dma_wait3A_77 = tpu.memref_slice %arg2[%select_n3A, %dma_wait3A_76] : memref<2500x128xi32, #tpu.memory_space<hbm>> -> memref<79x128xi32, #tpu.memory_space<hbm>>
      tpu.wait_dma2 semaphore(%run_scoped3A : memref<!tpu.dma_semaphore, #tpu.memory_space<semaphore_mem>>) src(%dma_wait3A_77 : memref<79x128xi32, #tpu.memory_space<hbm>>) dst(%arg4 : memref<79x128xi32, #tpu.memory_space<vmem>>)
      tpu.yield
    }) : () -> ()
    %barrier3A = arith.constant 0 : index
    tpu.barrier barrier_id(%barrier3A)
    %sub3A_58 = arith.subi %select_n3A_46, %select_n3A : i32
    %while3A = arith.constant 0 : i32
    %while3A_59 = arith.subi %sub3A_58, %while3A : i32
    %while3A_60 = arith.addi %while3A, %while3A_59 : i32
    %while3A_61 = arith.constant 1 : i32
    %while3A_62 = arith.divsi %while3A_59, %while3A_61 : i32
    %while3A_63 = arith.muli %while3A_62, %while3A_61 : i32
    %while3A_64 = arith.addi %while3A, %while3A_63 : i32
    %while3A_65 = arith.constant 1 : i32
    scf.for %while3A_72 = %while3A to %while3A_64 step %while3A_65  : i32 {
      "tpu.region"() ({
        %run_scoped3A = tpu.sem_alloc : memref<!tpu.dma_semaphore, #tpu.memory_space<semaphore_mem>>
        %dma_start3A = arith.constant 0 : i32
        %dma_start3A_73 = tpu.memref_slice %arg4[%while3A_72, %dma_start3A] : memref<79x128xi32, #tpu.memory_space<vmem>> -> memref<1x128xi32, #tpu.memory_space<vmem>>
        %dma_start3A_74 = tpu.memref_squeeze %dma_start3A_73 : memref<1x128xi32, #tpu.memory_space<vmem>> -> memref<128xi32, #tpu.memory_space<vmem>>
        %dma_start3A_75 = arith.constant 0 : i32
        %dma_start3A_76 = arith.constant 0 : i32
        %dma_start3A_77 = tpu.memref_slice %arg7[%dma_start3A_75, %dma_start3A_76] : memref<10112x16xf32, #tpu.memory_space<vmem_shared>> -> memref<10112x16xf32, #tpu.memory_space<vmem_shared>>
        tpu.enqueue_indirect_dma source(%arg5 : memref<128x16xf32, #tpu.memory_space<vmem>>) target(%dma_start3A_77 : memref<10112x16xf32, #tpu.memory_space<vmem_shared>>) offsets(%dma_start3A_74 : memref<128xi32, #tpu.memory_space<vmem>>) semaphore(%run_scoped3A : memref<!tpu.dma_semaphore, #tpu.memory_space<semaphore_mem>>) {add = true}
        %dma_wait3A = arith.constant 0 : i32
        %dma_wait3A_78 = tpu.memref_slice %arg4[%while3A_72, %dma_wait3A] : memref<79x128xi32, #tpu.memory_space<vmem>> -> memref<1x128xi32, #tpu.memory_space<vmem>>
        %dma_wait3A_79 = tpu.memref_squeeze %dma_wait3A_78 : memref<1x128xi32, #tpu.memory_space<vmem>> -> memref<128xi32, #tpu.memory_space<vmem>>
        %dma_wait3A_80 = arith.constant 0 : i32
        %dma_wait3A_81 = arith.constant 0 : i32
        %dma_wait3A_82 = tpu.memref_slice %arg7[%dma_wait3A_80, %dma_wait3A_81] : memref<10112x16xf32, #tpu.memory_space<vmem_shared>> -> memref<10112x16xf32, #tpu.memory_space<vmem_shared>>
        tpu.wait_indirect_dma semaphore(%run_scoped3A : memref<!tpu.dma_semaphore, #tpu.memory_space<semaphore_mem>>) src(%arg5 : memref<128x16xf32, #tpu.memory_space<vmem>>) dst(%dma_wait3A_82 : memref<10112x16xf32, #tpu.memory_space<vmem_shared>>)
        tpu.yield
      }) : () -> ()
    }
    %while3A_66 = arith.constant 1 : i32
    scf.for %while3A_72 = %while3A_64 to %while3A_60 step %while3A_66  : i32 {
      "tpu.region"() ({
        %run_scoped3A = tpu.sem_alloc : memref<!tpu.dma_semaphore, #tpu.memory_space<semaphore_mem>>
        %dma_start3A = arith.constant 0 : i32
        %dma_start3A_73 = tpu.memref_slice %arg4[%while3A_72, %dma_start3A] : memref<79x128xi32, #tpu.memory_space<vmem>> -> memref<1x128xi32, #tpu.memory_space<vmem>>
        %dma_start3A_74 = tpu.memref_squeeze %dma_start3A_73 : memref<1x128xi32, #tpu.memory_space<vmem>> -> memref<128xi32, #tpu.memory_space<vmem>>
        %dma_start3A_75 = arith.constant 0 : i32
        %dma_start3A_76 = arith.constant 0 : i32
        %dma_start3A_77 = tpu.memref_slice %arg7[%dma_start3A_75, %dma_start3A_76] : memref<10112x16xf32, #tpu.memory_space<vmem_shared>> -> memref<10112x16xf32, #tpu.memory_space<vmem_shared>>
        tpu.enqueue_indirect_dma source(%arg5 : memref<128x16xf32, #tpu.memory_space<vmem>>) target(%dma_start3A_77 : memref<10112x16xf32, #tpu.memory_space<vmem_shared>>) offsets(%dma_start3A_74 : memref<128xi32, #tpu.memory_space<vmem>>) semaphore(%run_scoped3A : memref<!tpu.dma_semaphore, #tpu.memory_space<semaphore_mem>>) {add = true}
        %dma_wait3A = arith.constant 0 : i32
        %dma_wait3A_78 = tpu.memref_slice %arg4[%while3A_72, %dma_wait3A] : memref<79x128xi32, #tpu.memory_space<vmem>> -> memref<1x128xi32, #tpu.memory_space<vmem>>
        %dma_wait3A_79 = tpu.memref_squeeze %dma_wait3A_78 : memref<1x128xi32, #tpu.memory_space<vmem>> -> memref<128xi32, #tpu.memory_space<vmem>>
        %dma_wait3A_80 = arith.constant 0 : i32
        %dma_wait3A_81 = arith.constant 0 : i32
        %dma_wait3A_82 = tpu.memref_slice %arg7[%dma_wait3A_80, %dma_wait3A_81] : memref<10112x16xf32, #tpu.memory_space<vmem_shared>> -> memref<10112x16xf32, #tpu.memory_space<vmem_shared>>
        tpu.wait_indirect_dma semaphore(%run_scoped3A : memref<!tpu.dma_semaphore, #tpu.memory_space<semaphore_mem>>) src(%arg5 : memref<128x16xf32, #tpu.memory_space<vmem>>) dst(%dma_wait3A_82 : memref<10112x16xf32, #tpu.memory_space<vmem_shared>>)
        tpu.yield
      }) : () -> ()
    }
    %barrier3A_67 = arith.constant 0 : index
    tpu.barrier barrier_id(%barrier3A_67)
    %mul3A_68 = arith.constant 632 : i32
    %mul3A_69 = arith.muli %arg1, %mul3A_68 : i32
    %mul3A_70 = arith.constant 632 : i32
    %mul3A_71 = arith.muli %arg1, %mul3A_70 : i32
    "tpu.region"() ({
      %run_scoped3A = tpu.sem_alloc : memref<!tpu.dma_semaphore, #tpu.memory_space<semaphore_mem>>
      %dma_start3A = arith.constant 0 : i32
      %dma_start3A_72 = tpu.memref_slice %arg3[%arg0, %mul3A_71, %dma_start3A] : memref<2x10112x16xf32, #tpu.memory_space<hbm>> -> memref<1x632x16xf32, #tpu.memory_space<hbm>>
      %dma_start3A_73 = tpu.memref_squeeze %dma_start3A_72 : memref<1x632x16xf32, #tpu.memory_space<hbm>> -> memref<632x16xf32, #tpu.memory_space<hbm>>
      %dma_start3A_74 = arith.constant 0 : i32
      %dma_start3A_75 = tpu.memref_slice %arg7[%mul3A_69, %dma_start3A_74] : memref<10112x16xf32, #tpu.memory_space<vmem_shared>> -> memref<632x16xf32, #tpu.memory_space<vmem_shared>>
      tpu.enqueue_dma source(%dma_start3A_75 : memref<632x16xf32, #tpu.memory_space<vmem_shared>>) target(%dma_start3A_73 : memref<632x16xf32, #tpu.memory_space<hbm>>) target_semaphore(%run_scoped3A : memref<!tpu.dma_semaphore, #tpu.memory_space<semaphore_mem>>)
      %dma_wait3A = arith.constant 0 : i32
      %dma_wait3A_76 = tpu.memref_slice %arg3[%arg0, %mul3A_71, %dma_wait3A] : memref<2x10112x16xf32, #tpu.memory_space<hbm>> -> memref<1x632x16xf32, #tpu.memory_space<hbm>>
      %dma_wait3A_77 = tpu.memref_squeeze %dma_wait3A_76 : memref<1x632x16xf32, #tpu.memory_space<hbm>> -> memref<632x16xf32, #tpu.memory_space<hbm>>
      %dma_wait3A_78 = arith.constant 0 : i32
      %dma_wait3A_79 = tpu.memref_slice %arg7[%mul3A_69, %dma_wait3A_78] : memref<10112x16xf32, #tpu.memory_space<vmem_shared>> -> memref<632x16xf32, #tpu.memory_space<vmem_shared>>
      tpu.wait_dma2 semaphore(%run_scoped3A : memref<!tpu.dma_semaphore, #tpu.memory_space<semaphore_mem>>) src(%dma_wait3A_79 : memref<632x16xf32, #tpu.memory_space<vmem_shared>>) dst(%dma_wait3A_77 : memref<632x16xf32, #tpu.memory_space<hbm>>)
      tpu.yield
    }) : () -> ()
    return
  }
}

#map = affine_map<(d0, d1) -> (0, 0)>
#map1 = affine_map<(d0, d1) -> (0, 0, 0)>
module attributes {stable_mosaic.version = 14 : i64} {
  func.func @k(%arg0: i32, %arg1: i32, %arg2: memref<2500x128xi32, #tpu.memory_space<hbm>>, %arg3: memref<2500x128xi32, #tpu.memory_space<hbm>>, %arg4: memref<10112x16xf32, #tpu.memory_space<hbm>>, %arg5: memref<2x10112x16xf32, #tpu.memory_space<hbm>>, %arg6: memref<2x10112x16xf32, #tpu.memory_space<hbm>>, %arg7: memref<79x128xi32, #tpu.memory_space<vmem>>, %arg8: memref<79x128xi32, #tpu.memory_space<vmem>>, %arg9: memref<128x16xf32, #tpu.memory_space<vmem>>, %arg10: memref<632x16xf32, #tpu.memory_space<vmem>>, %arg11: memref<632x16xf32, #tpu.memory_space<vmem>>, %arg12: memref<632x16xf32, #tpu.memory_space<vmem>>, %arg13: memref<632x16xf32, #tpu.memory_space<vmem>>, %arg14: memref<10112x16xf32, #tpu.memory_space<vmem_shared>>, %arg15: memref<10112x16xf32, #tpu.memory_space<vmem_shared>>, %arg16: memref<!tpu.dma_semaphore, #tpu.memory_space<semaphore_mem>>) attributes {dimension_semantics = [#tpu.dimension_semantics<core_parallel>, #tpu.dimension_semantics<subcore_parallel>], iteration_bounds = array<i64: 2, 16>, scalar_prefetch = 0 : i64, scratch_operands = 10 : i64, tpu.core_type = #tpu.core_type<sc_vector_subcore>, window_params = [{transform_indices = #map}, {transform_indices = #map}, {transform_indices = #map}, {transform_indices = #map1}, {transform_indices = #map1}]} {
    %mul3A = arith.constant 16 : i32
    %mul3A_0 = arith.muli %arg0, %mul3A : i32
    %add3A = arith.addi %mul3A_0, %arg1 : i32
    %mul3A_1 = arith.constant 2500 : i32
    %mul3A_2 = arith.muli %add3A, %mul3A_1 : i32
    %jit3A = arith.constant 32 : i32
    %div3A = arith.divsi %mul3A_2, %jit3A : i32
    %sign3A = arith.constant 0 : i32
    %sign3A_3 = arith.cmpi sgt, %mul3A_2, %sign3A : i32
    %sign3A_4 = arith.extui %sign3A_3 : i1 to i32
    %sign3A_5 = arith.constant 0 : i32
    %sign3A_6 = arith.cmpi slt, %mul3A_2, %sign3A_5 : i32
    %sign3A_7 = arith.extui %sign3A_6 : i1 to i32
    %sign3A_8 = arith.subi %sign3A_4, %sign3A_7 : i32
    %sign3A_9 = arith.constant 0 : i32
    %sign3A_10 = arith.cmpi sgt, %jit3A, %sign3A_9 : i32
    %sign3A_11 = arith.extui %sign3A_10 : i1 to i32
    %sign3A_12 = arith.constant 0 : i32
    %sign3A_13 = arith.cmpi slt, %jit3A, %sign3A_12 : i32
    %sign3A_14 = arith.extui %sign3A_13 : i1 to i32
    %sign3A_15 = arith.subi %sign3A_11, %sign3A_14 : i32
    %ne3A = arith.cmpi ne, %sign3A_8, %sign3A_15 : i32
    %rem3A = arith.remsi %mul3A_2, %jit3A : i32
    %ne3A_16 = arith.constant 0 : i32
    %ne3A_17 = arith.cmpi ne, %rem3A, %ne3A_16 : i32
    %and3A = arith.andi %ne3A, %ne3A_17 : i1
    %sub3A = arith.constant 1 : i32
    %sub3A_18 = arith.subi %div3A, %sub3A : i32
    %select_n3A = arith.select %and3A, %sub3A_18, %div3A : i32
    %add3A_19 = arith.constant 1 : i32
    %add3A_20 = arith.addi %add3A, %add3A_19 : i32
    %mul3A_21 = arith.constant 2500 : i32
    %mul3A_22 = arith.muli %add3A_20, %mul3A_21 : i32
    %jit3A_23 = arith.constant 32 : i32
    %div3A_24 = arith.divsi %mul3A_22, %jit3A_23 : i32
    %sign3A_25 = arith.constant 0 : i32
    %sign3A_26 = arith.cmpi sgt, %mul3A_22, %sign3A_25 : i32
    %sign3A_27 = arith.extui %sign3A_26 : i1 to i32
    %sign3A_28 = arith.constant 0 : i32
    %sign3A_29 = arith.cmpi slt, %mul3A_22, %sign3A_28 : i32
    %sign3A_30 = arith.extui %sign3A_29 : i1 to i32
    %sign3A_31 = arith.subi %sign3A_27, %sign3A_30 : i32
    %sign3A_32 = arith.constant 0 : i32
    %sign3A_33 = arith.cmpi sgt, %jit3A_23, %sign3A_32 : i32
    %sign3A_34 = arith.extui %sign3A_33 : i1 to i32
    %sign3A_35 = arith.constant 0 : i32
    %sign3A_36 = arith.cmpi slt, %jit3A_23, %sign3A_35 : i32
    %sign3A_37 = arith.extui %sign3A_36 : i1 to i32
    %sign3A_38 = arith.subi %sign3A_34, %sign3A_37 : i32
    %ne3A_39 = arith.cmpi ne, %sign3A_31, %sign3A_38 : i32
    %rem3A_40 = arith.remsi %mul3A_22, %jit3A_23 : i32
    %ne3A_41 = arith.constant 0 : i32
    %ne3A_42 = arith.cmpi ne, %rem3A_40, %ne3A_41 : i32
    %and3A_43 = arith.andi %ne3A_39, %ne3A_42 : i1
    %sub3A_44 = arith.constant 1 : i32
    %sub3A_45 = arith.subi %div3A_24, %sub3A_44 : i32
    %select_n3A_46 = arith.select %and3A_43, %sub3A_45, %div3A_24 : i32
    %mul3A_47 = arith.constant 632 : i32
    %mul3A_48 = arith.muli %arg1, %mul3A_47 : i32
    %scan3A = arith.constant 0 : i32
    %scan3A_49 = arith.constant 632 : i32
    %scan3A_50 = arith.addi %scan3A, %scan3A_49 : i32
    %scan3A_51 = arith.constant 1 : i32
    scf.for %scan3A_69 = %scan3A to %scan3A_50 step %scan3A_51  : i32 {
      %broadcast_in_dim3A = arith.constant 0.000000e+00 : f32
      %broadcast_in_dim3A_70 = vector.broadcast %broadcast_in_dim3A : f32 to vector<16xf32>
      %swap3A = arith.index_cast %scan3A_69 : i32 to index
      %swap3A_71 = arith.constant 0 : index
      %swap3A_72 = tpu.vector_load %arg10[%swap3A, %swap3A_71] {strides = array<i32>} : memref<632x16xf32, #tpu.memory_space<vmem>>, vector<1x16xf32>,
      %swap3A_73 = vector.shape_cast %swap3A_72 : vector<1x16xf32> to vector<16xf32>
      %swap3A_74 = vector.shape_cast %broadcast_in_dim3A_70 : vector<16xf32> to vector<1x16xf32>
      tpu.vector_store %arg10[%swap3A, %swap3A_71], %swap3A_74 {strides = array<i32>} : memref<632x16xf32, #tpu.memory_space<vmem>>, vector<1x16xf32>,
    }
    %scan3A_52 = arith.constant 632 : i32
    "tpu.region"() ({
      %run_scoped3A_69 = tpu.sem_alloc : memref<!tpu.dma_semaphore, #tpu.memory_space<semaphore_mem>>
      %dma_start3A = arith.constant 0 : i32
      %dma_start3A_70 = tpu.memref_slice %arg14[%mul3A_48, %dma_start3A] : memref<10112x16xf32, #tpu.memory_space<vmem_shared>> -> memref<632x16xf32, #tpu.memory_space<vmem_shared>>
      %dma_start3A_71 = arith.constant 0 : i32
      %dma_start3A_72 = tpu.memref_slice %arg14[%mul3A_48, %dma_start3A_71] : memref<10112x16xf32, #tpu.memory_space<vmem_shared>> -> memref<632x16xf32, #tpu.memory_space<vmem_shared>>
      tpu.enqueue_dma source(%arg10 : memref<632x16xf32, #tpu.memory_space<vmem>>) target(%dma_start3A_72 : memref<632x16xf32, #tpu.memory_space<vmem_shared>>) target_semaphore(%run_scoped3A_69 : memref<!tpu.dma_semaphore, #tpu.memory_space<semaphore_mem>>)
      %dma_wait3A = arith.constant 0 : i32
      %dma_wait3A_73 = tpu.memref_slice %arg14[%mul3A_48, %dma_wait3A] : memref<10112x16xf32, #tpu.memory_space<vmem_shared>> -> memref<632x16xf32, #tpu.memory_space<vmem_shared>>
      %dma_wait3A_74 = arith.constant 0 : i32
      %dma_wait3A_75 = tpu.memref_slice %arg14[%mul3A_48, %dma_wait3A_74] : memref<10112x16xf32, #tpu.memory_space<vmem_shared>> -> memref<632x16xf32, #tpu.memory_space<vmem_shared>>
      tpu.wait_dma2 semaphore(%run_scoped3A_69 : memref<!tpu.dma_semaphore, #tpu.memory_space<semaphore_mem>>) src(%arg10 : memref<632x16xf32, #tpu.memory_space<vmem>>) dst(%dma_wait3A_75 : memref<632x16xf32, #tpu.memory_space<vmem_shared>>)
      tpu.yield
    }) : () -> ()
    "tpu.region"() ({
      %run_scoped3A_69 = tpu.sem_alloc : memref<!tpu.dma_semaphore, #tpu.memory_space<semaphore_mem>>
      %dma_start3A = arith.constant 0 : i32
      %dma_start3A_70 = tpu.memref_slice %arg4[%mul3A_48, %dma_start3A] : memref<10112x16xf32, #tpu.memory_space<hbm>> -> memref<632x16xf32, #tpu.memory_space<hbm>>
      %dma_start3A_71 = arith.constant 0 : i32
      %dma_start3A_72 = tpu.memref_slice %arg4[%mul3A_48, %dma_start3A_71] : memref<10112x16xf32, #tpu.memory_space<hbm>> -> memref<632x16xf32, #tpu.memory_space<hbm>>
      tpu.enqueue_dma source(%dma_start3A_72 : memref<632x16xf32, #tpu.memory_space<hbm>>) target(%arg13 : memref<632x16xf32, #tpu.memory_space<vmem>>) target_semaphore(%run_scoped3A_69 : memref<!tpu.dma_semaphore, #tpu.memory_space<semaphore_mem>>)
      %dma_wait3A = arith.constant 0 : i32
      %dma_wait3A_73 = tpu.memref_slice %arg4[%mul3A_48, %dma_wait3A] : memref<10112x16xf32, #tpu.memory_space<hbm>> -> memref<632x16xf32, #tpu.memory_space<hbm>>
      %dma_wait3A_74 = arith.constant 0 : i32
      %dma_wait3A_75 = tpu.memref_slice %arg4[%mul3A_48, %dma_wait3A_74] : memref<10112x16xf32, #tpu.memory_space<hbm>> -> memref<632x16xf32, #tpu.memory_space<hbm>>
      tpu.wait_dma2 semaphore(%run_scoped3A_69 : memref<!tpu.dma_semaphore, #tpu.memory_space<semaphore_mem>>) src(%dma_wait3A_75 : memref<632x16xf32, #tpu.memory_space<hbm>>) dst(%arg13 : memref<632x16xf32, #tpu.memory_space<vmem>>)
      tpu.yield
    }) : () -> ()
    %run_scoped3A = arith.constant 0 : i32
    "tpu.region"() ({
      %run_scoped3A_69 = tpu.sem_alloc : memref<!tpu.dma_semaphore, #tpu.memory_space<semaphore_mem>>
      %dma_start3A = arith.constant 0 : i32
      %dma_start3A_70 = tpu.memref_slice %arg5[%run_scoped3A, %mul3A_48, %dma_start3A] : memref<2x10112x16xf32, #tpu.memory_space<hbm>> -> memref<1x632x16xf32, #tpu.memory_space<hbm>>
      %dma_start3A_71 = tpu.memref_squeeze %dma_start3A_70 : memref<1x632x16xf32, #tpu.memory_space<hbm>> -> memref<632x16xf32, #tpu.memory_space<hbm>>
      %dma_start3A_72 = arith.constant 0 : i32
      %dma_start3A_73 = tpu.memref_slice %arg5[%run_scoped3A, %mul3A_48, %dma_start3A_72] : memref<2x10112x16xf32, #tpu.memory_space<hbm>> -> memref<1x632x16xf32, #tpu.memory_space<hbm>>
      %dma_start3A_74 = tpu.memref_squeeze %dma_start3A_73 : memref<1x632x16xf32, #tpu.memory_space<hbm>> -> memref<632x16xf32, #tpu.memory_space<hbm>>
      tpu.enqueue_dma source(%dma_start3A_74 : memref<632x16xf32, #tpu.memory_space<hbm>>) target(%arg11 : memref<632x16xf32, #tpu.memory_space<vmem>>) target_semaphore(%run_scoped3A_69 : memref<!tpu.dma_semaphore, #tpu.memory_space<semaphore_mem>>)
      %dma_wait3A = arith.constant 0 : i32
      %dma_wait3A_75 = tpu.memref_slice %arg5[%run_scoped3A, %mul3A_48, %dma_wait3A] : memref<2x10112x16xf32, #tpu.memory_space<hbm>> -> memref<1x632x16xf32, #tpu.memory_space<hbm>>
      %dma_wait3A_76 = tpu.memref_squeeze %dma_wait3A_75 : memref<1x632x16xf32, #tpu.memory_space<hbm>> -> memref<632x16xf32, #tpu.memory_space<hbm>>
      %dma_wait3A_77 = arith.constant 0 : i32
      %dma_wait3A_78 = tpu.memref_slice %arg5[%run_scoped3A, %mul3A_48, %dma_wait3A_77] : memref<2x10112x16xf32, #tpu.memory_space<hbm>> -> memref<1x632x16xf32, #tpu.memory_space<hbm>>
      %dma_wait3A_79 = tpu.memref_squeeze %dma_wait3A_78 : memref<1x632x16xf32, #tpu.memory_space<hbm>> -> memref<632x16xf32, #tpu.memory_space<hbm>>
      tpu.wait_dma2 semaphore(%run_scoped3A_69 : memref<!tpu.dma_semaphore, #tpu.memory_space<semaphore_mem>>) src(%dma_wait3A_79 : memref<632x16xf32, #tpu.memory_space<hbm>>) dst(%arg11 : memref<632x16xf32, #tpu.memory_space<vmem>>)
      tpu.yield
    }) : () -> ()
    %run_scoped3A_53 = arith.constant 1 : i32
    "tpu.region"() ({
      %run_scoped3A_69 = tpu.sem_alloc : memref<!tpu.dma_semaphore, #tpu.memory_space<semaphore_mem>>
      %dma_start3A = arith.constant 0 : i32
      %dma_start3A_70 = tpu.memref_slice %arg5[%run_scoped3A_53, %mul3A_48, %dma_start3A] : memref<2x10112x16xf32, #tpu.memory_space<hbm>> -> memref<1x632x16xf32, #tpu.memory_space<hbm>>
      %dma_start3A_71 = tpu.memref_squeeze %dma_start3A_70 : memref<1x632x16xf32, #tpu.memory_space<hbm>> -> memref<632x16xf32, #tpu.memory_space<hbm>>
      %dma_start3A_72 = arith.constant 0 : i32
      %dma_start3A_73 = tpu.memref_slice %arg5[%run_scoped3A_53, %mul3A_48, %dma_start3A_72] : memref<2x10112x16xf32, #tpu.memory_space<hbm>> -> memref<1x632x16xf32, #tpu.memory_space<hbm>>
      %dma_start3A_74 = tpu.memref_squeeze %dma_start3A_73 : memref<1x632x16xf32, #tpu.memory_space<hbm>> -> memref<632x16xf32, #tpu.memory_space<hbm>>
      tpu.enqueue_dma source(%dma_start3A_74 : memref<632x16xf32, #tpu.memory_space<hbm>>) target(%arg12 : memref<632x16xf32, #tpu.memory_space<vmem>>) target_semaphore(%run_scoped3A_69 : memref<!tpu.dma_semaphore, #tpu.memory_space<semaphore_mem>>)
      %dma_wait3A = arith.constant 0 : i32
      %dma_wait3A_75 = tpu.memref_slice %arg5[%run_scoped3A_53, %mul3A_48, %dma_wait3A] : memref<2x10112x16xf32, #tpu.memory_space<hbm>> -> memref<1x632x16xf32, #tpu.memory_space<hbm>>
      %dma_wait3A_76 = tpu.memref_squeeze %dma_wait3A_75 : memref<1x632x16xf32, #tpu.memory_space<hbm>> -> memref<632x16xf32, #tpu.memory_space<hbm>>
      %dma_wait3A_77 = arith.constant 0 : i32
      %dma_wait3A_78 = tpu.memref_slice %arg5[%run_scoped3A_53, %mul3A_48, %dma_wait3A_77] : memref<2x10112x16xf32, #tpu.memory_space<hbm>> -> memref<1x632x16xf32, #tpu.memory_space<hbm>>
      %dma_wait3A_79 = tpu.memref_squeeze %dma_wait3A_78 : memref<1x632x16xf32, #tpu.memory_space<hbm>> -> memref<632x16xf32, #tpu.memory_space<hbm>>
      tpu.wait_dma2 semaphore(%run_scoped3A_69 : memref<!tpu.dma_semaphore, #tpu.memory_space<semaphore_mem>>) src(%dma_wait3A_79 : memref<632x16xf32, #tpu.memory_space<hbm>>) dst(%arg12 : memref<632x16xf32, #tpu.memory_space<vmem>>)
      tpu.yield
    }) : () -> ()
    "tpu.region"() ({
      %run_scoped3A_69 = tpu.sem_alloc : memref<!tpu.dma_semaphore, #tpu.memory_space<semaphore_mem>>
      %dma_start3A = arith.constant 0 : i32
      %dma_start3A_70 = tpu.memref_slice %arg2[%select_n3A, %dma_start3A] : memref<2500x128xi32, #tpu.memory_space<hbm>> -> memref<79x128xi32, #tpu.memory_space<hbm>>
      %dma_start3A_71 = arith.constant 0 : i32
      %dma_start3A_72 = tpu.memref_slice %arg2[%select_n3A, %dma_start3A_71] : memref<2500x128xi32, #tpu.memory_space<hbm>> -> memref<79x128xi32, #tpu.memory_space<hbm>>
      tpu.enqueue_dma source(%dma_start3A_72 : memref<79x128xi32, #tpu.memory_space<hbm>>) target(%arg7 : memref<79x128xi32, #tpu.memory_space<vmem>>) target_semaphore(%run_scoped3A_69 : memref<!tpu.dma_semaphore, #tpu.memory_space<semaphore_mem>>)
      %dma_wait3A = arith.constant 0 : i32
      %dma_wait3A_73 = tpu.memref_slice %arg2[%select_n3A, %dma_wait3A] : memref<2500x128xi32, #tpu.memory_space<hbm>> -> memref<79x128xi32, #tpu.memory_space<hbm>>
      %dma_wait3A_74 = arith.constant 0 : i32
      %dma_wait3A_75 = tpu.memref_slice %arg2[%select_n3A, %dma_wait3A_74] : memref<2500x128xi32, #tpu.memory_space<hbm>> -> memref<79x128xi32, #tpu.memory_space<hbm>>
      tpu.wait_dma2 semaphore(%run_scoped3A_69 : memref<!tpu.dma_semaphore, #tpu.memory_space<semaphore_mem>>) src(%dma_wait3A_75 : memref<79x128xi32, #tpu.memory_space<hbm>>) dst(%arg7 : memref<79x128xi32, #tpu.memory_space<vmem>>)
      tpu.yield
    }) : () -> ()
    "tpu.region"() ({
      %run_scoped3A_69 = tpu.sem_alloc : memref<!tpu.dma_semaphore, #tpu.memory_space<semaphore_mem>>
      %dma_start3A = arith.constant 0 : i32
      %dma_start3A_70 = tpu.memref_slice %arg3[%select_n3A, %dma_start3A] : memref<2500x128xi32, #tpu.memory_space<hbm>> -> memref<79x128xi32, #tpu.memory_space<hbm>>
      %dma_start3A_71 = arith.constant 0 : i32
      %dma_start3A_72 = tpu.memref_slice %arg3[%select_n3A, %dma_start3A_71] : memref<2500x128xi32, #tpu.memory_space<hbm>> -> memref<79x128xi32, #tpu.memory_space<hbm>>
      tpu.enqueue_dma source(%dma_start3A_72 : memref<79x128xi32, #tpu.memory_space<hbm>>) target(%arg8 : memref<79x128xi32, #tpu.memory_space<vmem>>) target_semaphore(%run_scoped3A_69 : memref<!tpu.dma_semaphore, #tpu.memory_space<semaphore_mem>>)
      %dma_wait3A = arith.constant 0 : i32
      %dma_wait3A_73 = tpu.memref_slice %arg3[%select_n3A, %dma_wait3A] : memref<2500x128xi32, #tpu.memory_space<hbm>> -> memref<79x128xi32, #tpu.memory_space<hbm>>
      %dma_wait3A_74 = arith.constant 0 : i32
      %dma_wait3A_75 = tpu.memref_slice %arg3[%select_n3A, %dma_wait3A_74] : memref<2500x128xi32, #tpu.memory_space<hbm>> -> memref<79x128xi32, #tpu.memory_space<hbm>>
      tpu.wait_dma2 semaphore(%run_scoped3A_69 : memref<!tpu.dma_semaphore, #tpu.memory_space<semaphore_mem>>) src(%dma_wait3A_75 : memref<79x128xi32, #tpu.memory_space<hbm>>) dst(%arg8 : memref<79x128xi32, #tpu.memory_space<vmem>>)
      tpu.yield
    }) : () -> ()
    %scan3A_54 = arith.constant 0 : i32
    %scan3A_55 = arith.constant 632 : i32
    %scan3A_56 = arith.addi %scan3A_54, %scan3A_55 : i32
    %scan3A_57 = arith.constant 1 : i32
    scf.for %scan3A_69 = %scan3A_54 to %scan3A_56 step %scan3A_57  : i32 {
      %get3A = arith.index_cast %scan3A_69 : i32 to index
      %get3A_70 = arith.constant 0 : index
      %get3A_71 = tpu.vector_load %arg11[%get3A, %get3A_70] {strides = array<i32>} : memref<632x16xf32, #tpu.memory_space<vmem>>, vector<1x16xf32>,
      %get3A_72 = vector.shape_cast %get3A_71 : vector<1x16xf32> to vector<16xf32>
      %get3A_73 = arith.index_cast %scan3A_69 : i32 to index
      %get3A_74 = arith.constant 0 : index
      %get3A_75 = tpu.vector_load %arg12[%get3A_73, %get3A_74] {strides = array<i32>} : memref<632x16xf32, #tpu.memory_space<vmem>>, vector<1x16xf32>,
      %get3A_76 = vector.shape_cast %get3A_75 : vector<1x16xf32> to vector<16xf32>
      %add3A_77 = arith.addf %get3A_72, %get3A_76 : vector<16xf32>
      %add3A_78 = arith.constant 1.000000e+00 : f32
      %add3A_79 = vector.broadcast %add3A_78 : f32 to vector<16xf32>
      %add3A_80 = arith.addf %add3A_77, %add3A_79 : vector<16xf32>
      %bitcast_convert_type3A = tpu.bitcast %add3A_80 : vector<16xf32> -> vector<16xi32>
      %shift_right_logical3A = arith.constant 1 : i32
      %shift_right_logical3A_81 = vector.broadcast %shift_right_logical3A : i32 to vector<16xi32>
      %shift_right_logical3A_82 = arith.shrui %bitcast_convert_type3A, %shift_right_logical3A_81 : vector<16xi32>
      %sub3A_83 = arith.constant 1597463007 : i32
      %sub3A_84 = vector.broadcast %sub3A_83 : i32 to vector<16xi32>
      %sub3A_85 = arith.subi %sub3A_84, %shift_right_logical3A_82 : vector<16xi32>
      %bitcast_convert_type3A_86 = tpu.bitcast %sub3A_85 : vector<16xi32> -> vector<16xf32>
      %mul3A_87 = arith.constant 5.000000e-01 : f32
      %mul3A_88 = vector.broadcast %mul3A_87 : f32 to vector<16xf32>
      %mul3A_89 = arith.mulf %mul3A_88, %add3A_80 : vector<16xf32>
      %mul3A_90 = arith.mulf %mul3A_89, %bitcast_convert_type3A_86 : vector<16xf32>
      %mul3A_91 = arith.mulf %mul3A_90, %bitcast_convert_type3A_86 : vector<16xf32>
      %sub3A_92 = arith.constant 1.500000e+00 : f32
      %sub3A_93 = vector.broadcast %sub3A_92 : f32 to vector<16xf32>
      %sub3A_94 = arith.subf %sub3A_93, %mul3A_91 : vector<16xf32>
      %mul3A_95 = arith.mulf %bitcast_convert_type3A_86, %sub3A_94 : vector<16xf32>
      %mul3A_96 = arith.constant 5.000000e-01 : f32
      %mul3A_97 = vector.broadcast %mul3A_96 : f32 to vector<16xf32>
      %mul3A_98 = arith.mulf %mul3A_97, %add3A_80 : vector<16xf32>
      %mul3A_99 = arith.mulf %mul3A_98, %mul3A_95 : vector<16xf32>
      %mul3A_100 = arith.mulf %mul3A_99, %mul3A_95 : vector<16xf32>
      %sub3A_101 = arith.constant 1.500000e+00 : f32
      %sub3A_102 = vector.broadcast %sub3A_101 : f32 to vector<16xf32>
      %sub3A_103 = arith.subf %sub3A_102, %mul3A_100 : vector<16xf32>
      %mul3A_104 = arith.mulf %mul3A_95, %sub3A_103 : vector<16xf32>
      %mul3A_105 = arith.constant 5.000000e-01 : f32
      %mul3A_106 = vector.broadcast %mul3A_105 : f32 to vector<16xf32>
      %mul3A_107 = arith.mulf %mul3A_106, %add3A_80 : vector<16xf32>
      %mul3A_108 = arith.mulf %mul3A_107, %mul3A_104 : vector<16xf32>
      %mul3A_109 = arith.mulf %mul3A_108, %mul3A_104 : vector<16xf32>
      %sub3A_110 = arith.constant 1.500000e+00 : f32
      %sub3A_111 = vector.broadcast %sub3A_110 : f32 to vector<16xf32>
      %sub3A_112 = arith.subf %sub3A_111, %mul3A_109 : vector<16xf32>
      %mul3A_113 = arith.mulf %mul3A_104, %sub3A_112 : vector<16xf32>
      %get3A_114 = arith.index_cast %scan3A_69 : i32 to index
      %get3A_115 = arith.constant 0 : index
      %get3A_116 = tpu.vector_load %arg13[%get3A_114, %get3A_115] {strides = array<i32>} : memref<632x16xf32, #tpu.memory_space<vmem>>, vector<1x16xf32>,
      %get3A_117 = vector.shape_cast %get3A_116 : vector<1x16xf32> to vector<16xf32>
      %mul3A_118 = arith.mulf %mul3A_113, %get3A_117 : vector<16xf32>
      %swap3A = arith.index_cast %scan3A_69 : i32 to index
      %swap3A_119 = arith.constant 0 : index
      %swap3A_120 = tpu.vector_load %arg13[%swap3A, %swap3A_119] {strides = array<i32>} : memref<632x16xf32, #tpu.memory_space<vmem>>, vector<1x16xf32>,
      %swap3A_121 = vector.shape_cast %swap3A_120 : vector<1x16xf32> to vector<16xf32>
      %swap3A_122 = vector.shape_cast %mul3A_118 : vector<16xf32> to vector<1x16xf32>
      tpu.vector_store %arg13[%swap3A, %swap3A_119], %swap3A_122 {strides = array<i32>} : memref<632x16xf32, #tpu.memory_space<vmem>>, vector<1x16xf32>,
    }
    %scan3A_58 = arith.constant 632 : i32
    "tpu.region"() ({
      %run_scoped3A_69 = tpu.sem_alloc : memref<!tpu.dma_semaphore, #tpu.memory_space<semaphore_mem>>
      %dma_start3A = arith.constant 0 : i32
      %dma_start3A_70 = tpu.memref_slice %arg15[%mul3A_48, %dma_start3A] : memref<10112x16xf32, #tpu.memory_space<vmem_shared>> -> memref<632x16xf32, #tpu.memory_space<vmem_shared>>
      %dma_start3A_71 = arith.constant 0 : i32
      %dma_start3A_72 = tpu.memref_slice %arg15[%mul3A_48, %dma_start3A_71] : memref<10112x16xf32, #tpu.memory_space<vmem_shared>> -> memref<632x16xf32, #tpu.memory_space<vmem_shared>>
      tpu.enqueue_dma source(%arg13 : memref<632x16xf32, #tpu.memory_space<vmem>>) target(%dma_start3A_72 : memref<632x16xf32, #tpu.memory_space<vmem_shared>>) target_semaphore(%run_scoped3A_69 : memref<!tpu.dma_semaphore, #tpu.memory_space<semaphore_mem>>)
      %dma_wait3A = arith.constant 0 : i32
      %dma_wait3A_73 = tpu.memref_slice %arg15[%mul3A_48, %dma_wait3A] : memref<10112x16xf32, #tpu.memory_space<vmem_shared>> -> memref<632x16xf32, #tpu.memory_space<vmem_shared>>
      %dma_wait3A_74 = arith.constant 0 : i32
      %dma_wait3A_75 = tpu.memref_slice %arg15[%mul3A_48, %dma_wait3A_74] : memref<10112x16xf32, #tpu.memory_space<vmem_shared>> -> memref<632x16xf32, #tpu.memory_space<vmem_shared>>
      tpu.wait_dma2 semaphore(%run_scoped3A_69 : memref<!tpu.dma_semaphore, #tpu.memory_space<semaphore_mem>>) src(%arg13 : memref<632x16xf32, #tpu.memory_space<vmem>>) dst(%dma_wait3A_75 : memref<632x16xf32, #tpu.memory_space<vmem_shared>>)
      tpu.yield
    }) : () -> ()
    %barrier3A = arith.constant 0 : index
    tpu.barrier barrier_id(%barrier3A)
    %sub3A_59 = arith.subi %select_n3A_46, %select_n3A : i32
    %while3A = arith.constant 0 : i32
    %while3A_60 = arith.subi %sub3A_59, %while3A : i32
    %while3A_61 = arith.addi %while3A, %while3A_60 : i32
    %while3A_62 = arith.constant 1 : i32
    %while3A_63 = arith.divsi %while3A_60, %while3A_62 : i32
    %while3A_64 = arith.muli %while3A_63, %while3A_62 : i32
    %while3A_65 = arith.addi %while3A, %while3A_64 : i32
    %while3A_66 = arith.constant 1 : i32
    scf.for %while3A_69 = %while3A to %while3A_65 step %while3A_66  : i32 {
      %dma_start3A = arith.constant 0 : i32
      %dma_start3A_70 = tpu.memref_slice %arg7[%while3A_69, %dma_start3A] : memref<79x128xi32, #tpu.memory_space<vmem>> -> memref<1x128xi32, #tpu.memory_space<vmem>>
      %dma_start3A_71 = tpu.memref_squeeze %dma_start3A_70 : memref<1x128xi32, #tpu.memory_space<vmem>> -> memref<128xi32, #tpu.memory_space<vmem>>
      %dma_start3A_72 = arith.constant 0 : i32
      %dma_start3A_73 = arith.constant 0 : i32
      %dma_start3A_74 = tpu.memref_slice %arg15[%dma_start3A_72, %dma_start3A_73] : memref<10112x16xf32, #tpu.memory_space<vmem_shared>> -> memref<10112x16xf32, #tpu.memory_space<vmem_shared>>
      tpu.enqueue_indirect_dma source(%dma_start3A_74 : memref<10112x16xf32, #tpu.memory_space<vmem_shared>>) target(%arg9 : memref<128x16xf32, #tpu.memory_space<vmem>>) offsets(%dma_start3A_71 : memref<128xi32, #tpu.memory_space<vmem>>) semaphore(%arg16 : memref<!tpu.dma_semaphore, #tpu.memory_space<semaphore_mem>>)
      %dma_wait3A = arith.constant 0 : i32
      %dma_wait3A_75 = tpu.memref_slice %arg7[%while3A_69, %dma_wait3A] : memref<79x128xi32, #tpu.memory_space<vmem>> -> memref<1x128xi32, #tpu.memory_space<vmem>>
      %dma_wait3A_76 = tpu.memref_squeeze %dma_wait3A_75 : memref<1x128xi32, #tpu.memory_space<vmem>> -> memref<128xi32, #tpu.memory_space<vmem>>
      %dma_wait3A_77 = arith.constant 0 : i32
      %dma_wait3A_78 = arith.constant 0 : i32
      %dma_wait3A_79 = tpu.memref_slice %arg15[%dma_wait3A_77, %dma_wait3A_78] : memref<10112x16xf32, #tpu.memory_space<vmem_shared>> -> memref<10112x16xf32, #tpu.memory_space<vmem_shared>>
      tpu.wait_indirect_dma semaphore(%arg16 : memref<!tpu.dma_semaphore, #tpu.memory_space<semaphore_mem>>) src(%dma_wait3A_79 : memref<10112x16xf32, #tpu.memory_space<vmem_shared>>) dst(%arg9 : memref<128x16xf32, #tpu.memory_space<vmem>>)
      "tpu.region"() ({
        %run_scoped3A_80 = tpu.sem_alloc : memref<!tpu.dma_semaphore, #tpu.memory_space<semaphore_mem>>
        %dma_start3A_81 = arith.constant 0 : i32
        %dma_start3A_82 = tpu.memref_slice %arg8[%while3A_69, %dma_start3A_81] : memref<79x128xi32, #tpu.memory_space<vmem>> -> memref<1x128xi32, #tpu.memory_space<vmem>>
        %dma_start3A_83 = tpu.memref_squeeze %dma_start3A_82 : memref<1x128xi32, #tpu.memory_space<vmem>> -> memref<128xi32, #tpu.memory_space<vmem>>
        %dma_start3A_84 = arith.constant 0 : i32
        %dma_start3A_85 = arith.constant 0 : i32
        %dma_start3A_86 = tpu.memref_slice %arg14[%dma_start3A_84, %dma_start3A_85] : memref<10112x16xf32, #tpu.memory_space<vmem_shared>> -> memref<10112x16xf32, #tpu.memory_space<vmem_shared>>
        tpu.enqueue_indirect_dma source(%arg9 : memref<128x16xf32, #tpu.memory_space<vmem>>) target(%dma_start3A_86 : memref<10112x16xf32, #tpu.memory_space<vmem_shared>>) offsets(%dma_start3A_83 : memref<128xi32, #tpu.memory_space<vmem>>) semaphore(%run_scoped3A_80 : memref<!tpu.dma_semaphore, #tpu.memory_space<semaphore_mem>>) {add = true}
        %dma_wait3A_87 = arith.constant 0 : i32
        %dma_wait3A_88 = tpu.memref_slice %arg8[%while3A_69, %dma_wait3A_87] : memref<79x128xi32, #tpu.memory_space<vmem>> -> memref<1x128xi32, #tpu.memory_space<vmem>>
        %dma_wait3A_89 = tpu.memref_squeeze %dma_wait3A_88 : memref<1x128xi32, #tpu.memory_space<vmem>> -> memref<128xi32, #tpu.memory_space<vmem>>
        %dma_wait3A_90 = arith.constant 0 : i32
        %dma_wait3A_91 = arith.constant 0 : i32
        %dma_wait3A_92 = tpu.memref_slice %arg14[%dma_wait3A_90, %dma_wait3A_91] : memref<10112x16xf32, #tpu.memory_space<vmem_shared>> -> memref<10112x16xf32, #tpu.memory_space<vmem_shared>>
        tpu.wait_indirect_dma semaphore(%run_scoped3A_80 : memref<!tpu.dma_semaphore, #tpu.memory_space<semaphore_mem>>) src(%arg9 : memref<128x16xf32, #tpu.memory_space<vmem>>) dst(%dma_wait3A_92 : memref<10112x16xf32, #tpu.memory_space<vmem_shared>>)
        tpu.yield
      }) : () -> ()
    }
    %while3A_67 = arith.constant 1 : i32
    scf.for %while3A_69 = %while3A_65 to %while3A_61 step %while3A_67  : i32 {
      %dma_start3A = arith.constant 0 : i32
      %dma_start3A_70 = tpu.memref_slice %arg7[%while3A_69, %dma_start3A] : memref<79x128xi32, #tpu.memory_space<vmem>> -> memref<1x128xi32, #tpu.memory_space<vmem>>
      %dma_start3A_71 = tpu.memref_squeeze %dma_start3A_70 : memref<1x128xi32, #tpu.memory_space<vmem>> -> memref<128xi32, #tpu.memory_space<vmem>>
      %dma_start3A_72 = arith.constant 0 : i32
      %dma_start3A_73 = arith.constant 0 : i32
      %dma_start3A_74 = tpu.memref_slice %arg15[%dma_start3A_72, %dma_start3A_73] : memref<10112x16xf32, #tpu.memory_space<vmem_shared>> -> memref<10112x16xf32, #tpu.memory_space<vmem_shared>>
      tpu.enqueue_indirect_dma source(%dma_start3A_74 : memref<10112x16xf32, #tpu.memory_space<vmem_shared>>) target(%arg9 : memref<128x16xf32, #tpu.memory_space<vmem>>) offsets(%dma_start3A_71 : memref<128xi32, #tpu.memory_space<vmem>>) semaphore(%arg16 : memref<!tpu.dma_semaphore, #tpu.memory_space<semaphore_mem>>)
      %dma_wait3A = arith.constant 0 : i32
      %dma_wait3A_75 = tpu.memref_slice %arg7[%while3A_69, %dma_wait3A] : memref<79x128xi32, #tpu.memory_space<vmem>> -> memref<1x128xi32, #tpu.memory_space<vmem>>
      %dma_wait3A_76 = tpu.memref_squeeze %dma_wait3A_75 : memref<1x128xi32, #tpu.memory_space<vmem>> -> memref<128xi32, #tpu.memory_space<vmem>>
      %dma_wait3A_77 = arith.constant 0 : i32
      %dma_wait3A_78 = arith.constant 0 : i32
      %dma_wait3A_79 = tpu.memref_slice %arg15[%dma_wait3A_77, %dma_wait3A_78] : memref<10112x16xf32, #tpu.memory_space<vmem_shared>> -> memref<10112x16xf32, #tpu.memory_space<vmem_shared>>
      tpu.wait_indirect_dma semaphore(%arg16 : memref<!tpu.dma_semaphore, #tpu.memory_space<semaphore_mem>>) src(%dma_wait3A_79 : memref<10112x16xf32, #tpu.memory_space<vmem_shared>>) dst(%arg9 : memref<128x16xf32, #tpu.memory_space<vmem>>)
      "tpu.region"() ({
        %run_scoped3A_80 = tpu.sem_alloc : memref<!tpu.dma_semaphore, #tpu.memory_space<semaphore_mem>>
        %dma_start3A_81 = arith.constant 0 : i32
        %dma_start3A_82 = tpu.memref_slice %arg8[%while3A_69, %dma_start3A_81] : memref<79x128xi32, #tpu.memory_space<vmem>> -> memref<1x128xi32, #tpu.memory_space<vmem>>
        %dma_start3A_83 = tpu.memref_squeeze %dma_start3A_82 : memref<1x128xi32, #tpu.memory_space<vmem>> -> memref<128xi32, #tpu.memory_space<vmem>>
        %dma_start3A_84 = arith.constant 0 : i32
        %dma_start3A_85 = arith.constant 0 : i32
        %dma_start3A_86 = tpu.memref_slice %arg14[%dma_start3A_84, %dma_start3A_85] : memref<10112x16xf32, #tpu.memory_space<vmem_shared>> -> memref<10112x16xf32, #tpu.memory_space<vmem_shared>>
        tpu.enqueue_indirect_dma source(%arg9 : memref<128x16xf32, #tpu.memory_space<vmem>>) target(%dma_start3A_86 : memref<10112x16xf32, #tpu.memory_space<vmem_shared>>) offsets(%dma_start3A_83 : memref<128xi32, #tpu.memory_space<vmem>>) semaphore(%run_scoped3A_80 : memref<!tpu.dma_semaphore, #tpu.memory_space<semaphore_mem>>) {add = true}
        %dma_wait3A_87 = arith.constant 0 : i32
        %dma_wait3A_88 = tpu.memref_slice %arg8[%while3A_69, %dma_wait3A_87] : memref<79x128xi32, #tpu.memory_space<vmem>> -> memref<1x128xi32, #tpu.memory_space<vmem>>
        %dma_wait3A_89 = tpu.memref_squeeze %dma_wait3A_88 : memref<1x128xi32, #tpu.memory_space<vmem>> -> memref<128xi32, #tpu.memory_space<vmem>>
        %dma_wait3A_90 = arith.constant 0 : i32
        %dma_wait3A_91 = arith.constant 0 : i32
        %dma_wait3A_92 = tpu.memref_slice %arg14[%dma_wait3A_90, %dma_wait3A_91] : memref<10112x16xf32, #tpu.memory_space<vmem_shared>> -> memref<10112x16xf32, #tpu.memory_space<vmem_shared>>
        tpu.wait_indirect_dma semaphore(%run_scoped3A_80 : memref<!tpu.dma_semaphore, #tpu.memory_space<semaphore_mem>>) src(%arg9 : memref<128x16xf32, #tpu.memory_space<vmem>>) dst(%dma_wait3A_92 : memref<10112x16xf32, #tpu.memory_space<vmem_shared>>)
        tpu.yield
      }) : () -> ()
    }
    %barrier3A_68 = arith.constant 0 : index
    tpu.barrier barrier_id(%barrier3A_68)
    "tpu.region"() ({
      %run_scoped3A_69 = tpu.sem_alloc : memref<!tpu.dma_semaphore, #tpu.memory_space<semaphore_mem>>
      %dma_start3A = arith.constant 0 : i32
      %dma_start3A_70 = tpu.memref_slice %arg6[%arg0, %mul3A_48, %dma_start3A] : memref<2x10112x16xf32, #tpu.memory_space<hbm>> -> memref<1x632x16xf32, #tpu.memory_space<hbm>>
      %dma_start3A_71 = tpu.memref_squeeze %dma_start3A_70 : memref<1x632x16xf32, #tpu.memory_space<hbm>> -> memref<632x16xf32, #tpu.memory_space<hbm>>
      %dma_start3A_72 = arith.constant 0 : i32
      %dma_start3A_73 = tpu.memref_slice %arg14[%mul3A_48, %dma_start3A_72] : memref<10112x16xf32, #tpu.memory_space<vmem_shared>> -> memref<632x16xf32, #tpu.memory_space<vmem_shared>>
      tpu.enqueue_dma source(%dma_start3A_73 : memref<632x16xf32, #tpu.memory_space<vmem_shared>>) target(%dma_start3A_71 : memref<632x16xf32, #tpu.memory_space<hbm>>) target_semaphore(%run_scoped3A_69 : memref<!tpu.dma_semaphore, #tpu.memory_space<semaphore_mem>>)
      %dma_wait3A = arith.constant 0 : i32
      %dma_wait3A_74 = tpu.memref_slice %arg6[%arg0, %mul3A_48, %dma_wait3A] : memref<2x10112x16xf32, #tpu.memory_space<hbm>> -> memref<1x632x16xf32, #tpu.memory_space<hbm>>
      %dma_wait3A_75 = tpu.memref_squeeze %dma_wait3A_74 : memref<1x632x16xf32, #tpu.memory_space<hbm>> -> memref<632x16xf32, #tpu.memory_space<hbm>>
      %dma_wait3A_76 = arith.constant 0 : i32
      %dma_wait3A_77 = tpu.memref_slice %arg14[%mul3A_48, %dma_wait3A_76] : memref<10112x16xf32, #tpu.memory_space<vmem_shared>> -> memref<632x16xf32, #tpu.memory_space<vmem_shared>>
      tpu.wait_dma2 semaphore(%run_scoped3A_69 : memref<!tpu.dma_semaphore, #tpu.memory_space<semaphore_mem>>) src(%dma_wait3A_77 : memref<632x16xf32, #tpu.memory_space<vmem_shared>>) dst(%dma_wait3A_75 : memref<632x16xf32, #tpu.memory_space<hbm>>)
      tpu.yield
    }) : () -> ()
    return
  }
}

#map = affine_map<(d0, d1) -> (0, 0)>
#map1 = affine_map<(d0, d1) -> (0, 0, 0)>
module attributes {stable_mosaic.version = 14 : i64} {
  func.func @k(%arg0: i32, %arg1: i32, %arg2: memref<2500x128xi32, #tpu.memory_space<hbm>>, %arg3: memref<2500x128xi32, #tpu.memory_space<hbm>>, %arg4: memref<10112x16xf32, #tpu.memory_space<hbm>>, %arg5: memref<2x10112x16xf32, #tpu.memory_space<hbm>>, %arg6: memref<79x128xi32, #tpu.memory_space<vmem>>, %arg7: memref<79x128xi32, #tpu.memory_space<vmem>>, %arg8: memref<128x16xf32, #tpu.memory_space<vmem>>, %arg9: memref<632x16xf32, #tpu.memory_space<vmem>>, %arg10: memref<10112x16xf32, #tpu.memory_space<vmem_shared>>, %arg11: memref<10112x16xf32, #tpu.memory_space<vmem_shared>>, %arg12: memref<!tpu.dma_semaphore, #tpu.memory_space<semaphore_mem>>) attributes {dimension_semantics = [#tpu.dimension_semantics<core_parallel>, #tpu.dimension_semantics<subcore_parallel>], iteration_bounds = array<i64: 2, 16>, scalar_prefetch = 0 : i64, scratch_operands = 7 : i64, tpu.core_type = #tpu.core_type<sc_vector_subcore>, window_params = [{transform_indices = #map}, {transform_indices = #map}, {transform_indices = #map}, {transform_indices = #map1}]} {
    %mul3A = arith.constant 16 : i32
    %mul3A_0 = arith.muli %arg0, %mul3A : i32
    %add3A = arith.addi %mul3A_0, %arg1 : i32
    %mul3A_1 = arith.constant 2500 : i32
    %mul3A_2 = arith.muli %add3A, %mul3A_1 : i32
    %jit3A = arith.constant 32 : i32
    %div3A = arith.divsi %mul3A_2, %jit3A : i32
    %sign3A = arith.constant 0 : i32
    %sign3A_3 = arith.cmpi sgt, %mul3A_2, %sign3A : i32
    %sign3A_4 = arith.extui %sign3A_3 : i1 to i32
    %sign3A_5 = arith.constant 0 : i32
    %sign3A_6 = arith.cmpi slt, %mul3A_2, %sign3A_5 : i32
    %sign3A_7 = arith.extui %sign3A_6 : i1 to i32
    %sign3A_8 = arith.subi %sign3A_4, %sign3A_7 : i32
    %sign3A_9 = arith.constant 0 : i32
    %sign3A_10 = arith.cmpi sgt, %jit3A, %sign3A_9 : i32
    %sign3A_11 = arith.extui %sign3A_10 : i1 to i32
    %sign3A_12 = arith.constant 0 : i32
    %sign3A_13 = arith.cmpi slt, %jit3A, %sign3A_12 : i32
    %sign3A_14 = arith.extui %sign3A_13 : i1 to i32
    %sign3A_15 = arith.subi %sign3A_11, %sign3A_14 : i32
    %ne3A = arith.cmpi ne, %sign3A_8, %sign3A_15 : i32
    %rem3A = arith.remsi %mul3A_2, %jit3A : i32
    %ne3A_16 = arith.constant 0 : i32
    %ne3A_17 = arith.cmpi ne, %rem3A, %ne3A_16 : i32
    %and3A = arith.andi %ne3A, %ne3A_17 : i1
    %sub3A = arith.constant 1 : i32
    %sub3A_18 = arith.subi %div3A, %sub3A : i32
    %select_n3A = arith.select %and3A, %sub3A_18, %div3A : i32
    %add3A_19 = arith.constant 1 : i32
    %add3A_20 = arith.addi %add3A, %add3A_19 : i32
    %mul3A_21 = arith.constant 2500 : i32
    %mul3A_22 = arith.muli %add3A_20, %mul3A_21 : i32
    %jit3A_23 = arith.constant 32 : i32
    %div3A_24 = arith.divsi %mul3A_22, %jit3A_23 : i32
    %sign3A_25 = arith.constant 0 : i32
    %sign3A_26 = arith.cmpi sgt, %mul3A_22, %sign3A_25 : i32
    %sign3A_27 = arith.extui %sign3A_26 : i1 to i32
    %sign3A_28 = arith.constant 0 : i32
    %sign3A_29 = arith.cmpi slt, %mul3A_22, %sign3A_28 : i32
    %sign3A_30 = arith.extui %sign3A_29 : i1 to i32
    %sign3A_31 = arith.subi %sign3A_27, %sign3A_30 : i32
    %sign3A_32 = arith.constant 0 : i32
    %sign3A_33 = arith.cmpi sgt, %jit3A_23, %sign3A_32 : i32
    %sign3A_34 = arith.extui %sign3A_33 : i1 to i32
    %sign3A_35 = arith.constant 0 : i32
    %sign3A_36 = arith.cmpi slt, %jit3A_23, %sign3A_35 : i32
    %sign3A_37 = arith.extui %sign3A_36 : i1 to i32
    %sign3A_38 = arith.subi %sign3A_34, %sign3A_37 : i32
    %ne3A_39 = arith.cmpi ne, %sign3A_31, %sign3A_38 : i32
    %rem3A_40 = arith.remsi %mul3A_22, %jit3A_23 : i32
    %ne3A_41 = arith.constant 0 : i32
    %ne3A_42 = arith.cmpi ne, %rem3A_40, %ne3A_41 : i32
    %and3A_43 = arith.andi %ne3A_39, %ne3A_42 : i1
    %sub3A_44 = arith.constant 1 : i32
    %sub3A_45 = arith.subi %div3A_24, %sub3A_44 : i32
    %select_n3A_46 = arith.select %and3A_43, %sub3A_45, %div3A_24 : i32
    %scan3A = arith.constant 0 : i32
    %scan3A_47 = arith.constant 632 : i32
    %scan3A_48 = arith.addi %scan3A, %scan3A_47 : i32
    %scan3A_49 = arith.constant 1 : i32
    scf.for %scan3A_71 = %scan3A to %scan3A_48 step %scan3A_49  : i32 {
      %broadcast_in_dim3A = arith.constant 0.000000e+00 : f32
      %broadcast_in_dim3A_72 = vector.broadcast %broadcast_in_dim3A : f32 to vector<16xf32>
      %swap3A = arith.index_cast %scan3A_71 : i32 to index
      %swap3A_73 = arith.constant 0 : index
      %swap3A_74 = tpu.vector_load %arg9[%swap3A, %swap3A_73] {strides = array<i32>} : memref<632x16xf32, #tpu.memory_space<vmem>>, vector<1x16xf32>,
      %swap3A_75 = vector.shape_cast %swap3A_74 : vector<1x16xf32> to vector<16xf32>
      %swap3A_76 = vector.shape_cast %broadcast_in_dim3A_72 : vector<16xf32> to vector<1x16xf32>
      tpu.vector_store %arg9[%swap3A, %swap3A_73], %swap3A_76 {strides = array<i32>} : memref<632x16xf32, #tpu.memory_space<vmem>>, vector<1x16xf32>,
    }
    %scan3A_50 = arith.constant 632 : i32
    %mul3A_51 = arith.constant 632 : i32
    %mul3A_52 = arith.muli %arg1, %mul3A_51 : i32
    "tpu.region"() ({
      %run_scoped3A = tpu.sem_alloc : memref<!tpu.dma_semaphore, #tpu.memory_space<semaphore_mem>>
      %dma_start3A = arith.constant 0 : i32
      %dma_start3A_71 = tpu.memref_slice %arg10[%mul3A_52, %dma_start3A] : memref<10112x16xf32, #tpu.memory_space<vmem_shared>> -> memref<632x16xf32, #tpu.memory_space<vmem_shared>>
      %dma_start3A_72 = arith.constant 0 : i32
      %dma_start3A_73 = tpu.memref_slice %arg10[%mul3A_52, %dma_start3A_72] : memref<10112x16xf32, #tpu.memory_space<vmem_shared>> -> memref<632x16xf32, #tpu.memory_space<vmem_shared>>
      tpu.enqueue_dma source(%arg9 : memref<632x16xf32, #tpu.memory_space<vmem>>) target(%dma_start3A_73 : memref<632x16xf32, #tpu.memory_space<vmem_shared>>) target_semaphore(%run_scoped3A : memref<!tpu.dma_semaphore, #tpu.memory_space<semaphore_mem>>)
      %dma_wait3A = arith.constant 0 : i32
      %dma_wait3A_74 = tpu.memref_slice %arg10[%mul3A_52, %dma_wait3A] : memref<10112x16xf32, #tpu.memory_space<vmem_shared>> -> memref<632x16xf32, #tpu.memory_space<vmem_shared>>
      %dma_wait3A_75 = arith.constant 0 : i32
      %dma_wait3A_76 = tpu.memref_slice %arg10[%mul3A_52, %dma_wait3A_75] : memref<10112x16xf32, #tpu.memory_space<vmem_shared>> -> memref<632x16xf32, #tpu.memory_space<vmem_shared>>
      tpu.wait_dma2 semaphore(%run_scoped3A : memref<!tpu.dma_semaphore, #tpu.memory_space<semaphore_mem>>) src(%arg9 : memref<632x16xf32, #tpu.memory_space<vmem>>) dst(%dma_wait3A_76 : memref<632x16xf32, #tpu.memory_space<vmem_shared>>)
      tpu.yield
    }) : () -> ()
    %mul3A_53 = arith.constant 632 : i32
    %mul3A_54 = arith.muli %arg1, %mul3A_53 : i32
    %mul3A_55 = arith.constant 632 : i32
    %mul3A_56 = arith.muli %arg1, %mul3A_55 : i32
    "tpu.region"() ({
      %run_scoped3A = tpu.sem_alloc : memref<!tpu.dma_semaphore, #tpu.memory_space<semaphore_mem>>
      %dma_start3A = arith.constant 0 : i32
      %dma_start3A_71 = tpu.memref_slice %arg11[%mul3A_56, %dma_start3A] : memref<10112x16xf32, #tpu.memory_space<vmem_shared>> -> memref<632x16xf32, #tpu.memory_space<vmem_shared>>
      %dma_start3A_72 = arith.constant 0 : i32
      %dma_start3A_73 = tpu.memref_slice %arg4[%mul3A_54, %dma_start3A_72] : memref<10112x16xf32, #tpu.memory_space<hbm>> -> memref<632x16xf32, #tpu.memory_space<hbm>>
      tpu.enqueue_dma source(%dma_start3A_73 : memref<632x16xf32, #tpu.memory_space<hbm>>) target(%dma_start3A_71 : memref<632x16xf32, #tpu.memory_space<vmem_shared>>) target_semaphore(%run_scoped3A : memref<!tpu.dma_semaphore, #tpu.memory_space<semaphore_mem>>)
      %dma_wait3A = arith.constant 0 : i32
      %dma_wait3A_74 = tpu.memref_slice %arg11[%mul3A_56, %dma_wait3A] : memref<10112x16xf32, #tpu.memory_space<vmem_shared>> -> memref<632x16xf32, #tpu.memory_space<vmem_shared>>
      %dma_wait3A_75 = arith.constant 0 : i32
      %dma_wait3A_76 = tpu.memref_slice %arg4[%mul3A_54, %dma_wait3A_75] : memref<10112x16xf32, #tpu.memory_space<hbm>> -> memref<632x16xf32, #tpu.memory_space<hbm>>
      tpu.wait_dma2 semaphore(%run_scoped3A : memref<!tpu.dma_semaphore, #tpu.memory_space<semaphore_mem>>) src(%dma_wait3A_76 : memref<632x16xf32, #tpu.memory_space<hbm>>) dst(%dma_wait3A_74 : memref<632x16xf32, #tpu.memory_space<vmem_shared>>)
      tpu.yield
    }) : () -> ()
    "tpu.region"() ({
      %run_scoped3A = tpu.sem_alloc : memref<!tpu.dma_semaphore, #tpu.memory_space<semaphore_mem>>
      %dma_start3A = arith.constant 0 : i32
      %dma_start3A_71 = tpu.memref_slice %arg2[%select_n3A, %dma_start3A] : memref<2500x128xi32, #tpu.memory_space<hbm>> -> memref<79x128xi32, #tpu.memory_space<hbm>>
      %dma_start3A_72 = arith.constant 0 : i32
      %dma_start3A_73 = tpu.memref_slice %arg2[%select_n3A, %dma_start3A_72] : memref<2500x128xi32, #tpu.memory_space<hbm>> -> memref<79x128xi32, #tpu.memory_space<hbm>>
      tpu.enqueue_dma source(%dma_start3A_73 : memref<79x128xi32, #tpu.memory_space<hbm>>) target(%arg6 : memref<79x128xi32, #tpu.memory_space<vmem>>) target_semaphore(%run_scoped3A : memref<!tpu.dma_semaphore, #tpu.memory_space<semaphore_mem>>)
      %dma_wait3A = arith.constant 0 : i32
      %dma_wait3A_74 = tpu.memref_slice %arg2[%select_n3A, %dma_wait3A] : memref<2500x128xi32, #tpu.memory_space<hbm>> -> memref<79x128xi32, #tpu.memory_space<hbm>>
      %dma_wait3A_75 = arith.constant 0 : i32
      %dma_wait3A_76 = tpu.memref_slice %arg2[%select_n3A, %dma_wait3A_75] : memref<2500x128xi32, #tpu.memory_space<hbm>> -> memref<79x128xi32, #tpu.memory_space<hbm>>
      tpu.wait_dma2 semaphore(%run_scoped3A : memref<!tpu.dma_semaphore, #tpu.memory_space<semaphore_mem>>) src(%dma_wait3A_76 : memref<79x128xi32, #tpu.memory_space<hbm>>) dst(%arg6 : memref<79x128xi32, #tpu.memory_space<vmem>>)
      tpu.yield
    }) : () -> ()
    "tpu.region"() ({
      %run_scoped3A = tpu.sem_alloc : memref<!tpu.dma_semaphore, #tpu.memory_space<semaphore_mem>>
      %dma_start3A = arith.constant 0 : i32
      %dma_start3A_71 = tpu.memref_slice %arg3[%select_n3A, %dma_start3A] : memref<2500x128xi32, #tpu.memory_space<hbm>> -> memref<79x128xi32, #tpu.memory_space<hbm>>
      %dma_start3A_72 = arith.constant 0 : i32
      %dma_start3A_73 = tpu.memref_slice %arg3[%select_n3A, %dma_start3A_72] : memref<2500x128xi32, #tpu.memory_space<hbm>> -> memref<79x128xi32, #tpu.memory_space<hbm>>
      tpu.enqueue_dma source(%dma_start3A_73 : memref<79x128xi32, #tpu.memory_space<hbm>>) target(%arg7 : memref<79x128xi32, #tpu.memory_space<vmem>>) target_semaphore(%run_scoped3A : memref<!tpu.dma_semaphore, #tpu.memory_space<semaphore_mem>>)
      %dma_wait3A = arith.constant 0 : i32
      %dma_wait3A_74 = tpu.memref_slice %arg3[%select_n3A, %dma_wait3A] : memref<2500x128xi32, #tpu.memory_space<hbm>> -> memref<79x128xi32, #tpu.memory_space<hbm>>
      %dma_wait3A_75 = arith.constant 0 : i32
      %dma_wait3A_76 = tpu.memref_slice %arg3[%select_n3A, %dma_wait3A_75] : memref<2500x128xi32, #tpu.memory_space<hbm>> -> memref<79x128xi32, #tpu.memory_space<hbm>>
      tpu.wait_dma2 semaphore(%run_scoped3A : memref<!tpu.dma_semaphore, #tpu.memory_space<semaphore_mem>>) src(%dma_wait3A_76 : memref<79x128xi32, #tpu.memory_space<hbm>>) dst(%arg7 : memref<79x128xi32, #tpu.memory_space<vmem>>)
      tpu.yield
    }) : () -> ()
    %barrier3A = arith.constant 0 : index
    tpu.barrier barrier_id(%barrier3A)
    %sub3A_57 = arith.subi %select_n3A_46, %select_n3A : i32
    %while3A = arith.constant 0 : i32
    %while3A_58 = arith.subi %sub3A_57, %while3A : i32
    %while3A_59 = arith.addi %while3A, %while3A_58 : i32
    %while3A_60 = arith.constant 1 : i32
    %while3A_61 = arith.divsi %while3A_58, %while3A_60 : i32
    %while3A_62 = arith.muli %while3A_61, %while3A_60 : i32
    %while3A_63 = arith.addi %while3A, %while3A_62 : i32
    %while3A_64 = arith.constant 1 : i32
    scf.for %while3A_71 = %while3A to %while3A_63 step %while3A_64  : i32 {
      %dma_start3A = arith.constant 0 : i32
      %dma_start3A_72 = tpu.memref_slice %arg6[%while3A_71, %dma_start3A] : memref<79x128xi32, #tpu.memory_space<vmem>> -> memref<1x128xi32, #tpu.memory_space<vmem>>
      %dma_start3A_73 = tpu.memref_squeeze %dma_start3A_72 : memref<1x128xi32, #tpu.memory_space<vmem>> -> memref<128xi32, #tpu.memory_space<vmem>>
      %dma_start3A_74 = arith.constant 0 : i32
      %dma_start3A_75 = arith.constant 0 : i32
      %dma_start3A_76 = tpu.memref_slice %arg11[%dma_start3A_74, %dma_start3A_75] : memref<10112x16xf32, #tpu.memory_space<vmem_shared>> -> memref<10112x16xf32, #tpu.memory_space<vmem_shared>>
      tpu.enqueue_indirect_dma source(%dma_start3A_76 : memref<10112x16xf32, #tpu.memory_space<vmem_shared>>) target(%arg8 : memref<128x16xf32, #tpu.memory_space<vmem>>) offsets(%dma_start3A_73 : memref<128xi32, #tpu.memory_space<vmem>>) semaphore(%arg12 : memref<!tpu.dma_semaphore, #tpu.memory_space<semaphore_mem>>)
      %dma_wait3A = arith.constant 0 : i32
      %dma_wait3A_77 = tpu.memref_slice %arg6[%while3A_71, %dma_wait3A] : memref<79x128xi32, #tpu.memory_space<vmem>> -> memref<1x128xi32, #tpu.memory_space<vmem>>
      %dma_wait3A_78 = tpu.memref_squeeze %dma_wait3A_77 : memref<1x128xi32, #tpu.memory_space<vmem>> -> memref<128xi32, #tpu.memory_space<vmem>>
      %dma_wait3A_79 = arith.constant 0 : i32
      %dma_wait3A_80 = arith.constant 0 : i32
      %dma_wait3A_81 = tpu.memref_slice %arg11[%dma_wait3A_79, %dma_wait3A_80] : memref<10112x16xf32, #tpu.memory_space<vmem_shared>> -> memref<10112x16xf32, #tpu.memory_space<vmem_shared>>
      tpu.wait_indirect_dma semaphore(%arg12 : memref<!tpu.dma_semaphore, #tpu.memory_space<semaphore_mem>>) src(%dma_wait3A_81 : memref<10112x16xf32, #tpu.memory_space<vmem_shared>>) dst(%arg8 : memref<128x16xf32, #tpu.memory_space<vmem>>)
      "tpu.region"() ({
        %run_scoped3A = tpu.sem_alloc : memref<!tpu.dma_semaphore, #tpu.memory_space<semaphore_mem>>
        %dma_start3A_82 = arith.constant 0 : i32
        %dma_start3A_83 = tpu.memref_slice %arg7[%while3A_71, %dma_start3A_82] : memref<79x128xi32, #tpu.memory_space<vmem>> -> memref<1x128xi32, #tpu.memory_space<vmem>>
        %dma_start3A_84 = tpu.memref_squeeze %dma_start3A_83 : memref<1x128xi32, #tpu.memory_space<vmem>> -> memref<128xi32, #tpu.memory_space<vmem>>
        %dma_start3A_85 = arith.constant 0 : i32
        %dma_start3A_86 = arith.constant 0 : i32
        %dma_start3A_87 = tpu.memref_slice %arg10[%dma_start3A_85, %dma_start3A_86] : memref<10112x16xf32, #tpu.memory_space<vmem_shared>> -> memref<10112x16xf32, #tpu.memory_space<vmem_shared>>
        tpu.enqueue_indirect_dma source(%arg8 : memref<128x16xf32, #tpu.memory_space<vmem>>) target(%dma_start3A_87 : memref<10112x16xf32, #tpu.memory_space<vmem_shared>>) offsets(%dma_start3A_84 : memref<128xi32, #tpu.memory_space<vmem>>) semaphore(%run_scoped3A : memref<!tpu.dma_semaphore, #tpu.memory_space<semaphore_mem>>) {add = true}
        %dma_wait3A_88 = arith.constant 0 : i32
        %dma_wait3A_89 = tpu.memref_slice %arg7[%while3A_71, %dma_wait3A_88] : memref<79x128xi32, #tpu.memory_space<vmem>> -> memref<1x128xi32, #tpu.memory_space<vmem>>
        %dma_wait3A_90 = tpu.memref_squeeze %dma_wait3A_89 : memref<1x128xi32, #tpu.memory_space<vmem>> -> memref<128xi32, #tpu.memory_space<vmem>>
        %dma_wait3A_91 = arith.constant 0 : i32
        %dma_wait3A_92 = arith.constant 0 : i32
        %dma_wait3A_93 = tpu.memref_slice %arg10[%dma_wait3A_91, %dma_wait3A_92] : memref<10112x16xf32, #tpu.memory_space<vmem_shared>> -> memref<10112x16xf32, #tpu.memory_space<vmem_shared>>
        tpu.wait_indirect_dma semaphore(%run_scoped3A : memref<!tpu.dma_semaphore, #tpu.memory_space<semaphore_mem>>) src(%arg8 : memref<128x16xf32, #tpu.memory_space<vmem>>) dst(%dma_wait3A_93 : memref<10112x16xf32, #tpu.memory_space<vmem_shared>>)
        tpu.yield
      }) : () -> ()
    }
    %while3A_65 = arith.constant 1 : i32
    scf.for %while3A_71 = %while3A_63 to %while3A_59 step %while3A_65  : i32 {
      %dma_start3A = arith.constant 0 : i32
      %dma_start3A_72 = tpu.memref_slice %arg6[%while3A_71, %dma_start3A] : memref<79x128xi32, #tpu.memory_space<vmem>> -> memref<1x128xi32, #tpu.memory_space<vmem>>
      %dma_start3A_73 = tpu.memref_squeeze %dma_start3A_72 : memref<1x128xi32, #tpu.memory_space<vmem>> -> memref<128xi32, #tpu.memory_space<vmem>>
      %dma_start3A_74 = arith.constant 0 : i32
      %dma_start3A_75 = arith.constant 0 : i32
      %dma_start3A_76 = tpu.memref_slice %arg11[%dma_start3A_74, %dma_start3A_75] : memref<10112x16xf32, #tpu.memory_space<vmem_shared>> -> memref<10112x16xf32, #tpu.memory_space<vmem_shared>>
      tpu.enqueue_indirect_dma source(%dma_start3A_76 : memref<10112x16xf32, #tpu.memory_space<vmem_shared>>) target(%arg8 : memref<128x16xf32, #tpu.memory_space<vmem>>) offsets(%dma_start3A_73 : memref<128xi32, #tpu.memory_space<vmem>>) semaphore(%arg12 : memref<!tpu.dma_semaphore, #tpu.memory_space<semaphore_mem>>)
      %dma_wait3A = arith.constant 0 : i32
      %dma_wait3A_77 = tpu.memref_slice %arg6[%while3A_71, %dma_wait3A] : memref<79x128xi32, #tpu.memory_space<vmem>> -> memref<1x128xi32, #tpu.memory_space<vmem>>
      %dma_wait3A_78 = tpu.memref_squeeze %dma_wait3A_77 : memref<1x128xi32, #tpu.memory_space<vmem>> -> memref<128xi32, #tpu.memory_space<vmem>>
      %dma_wait3A_79 = arith.constant 0 : i32
      %dma_wait3A_80 = arith.constant 0 : i32
      %dma_wait3A_81 = tpu.memref_slice %arg11[%dma_wait3A_79, %dma_wait3A_80] : memref<10112x16xf32, #tpu.memory_space<vmem_shared>> -> memref<10112x16xf32, #tpu.memory_space<vmem_shared>>
      tpu.wait_indirect_dma semaphore(%arg12 : memref<!tpu.dma_semaphore, #tpu.memory_space<semaphore_mem>>) src(%dma_wait3A_81 : memref<10112x16xf32, #tpu.memory_space<vmem_shared>>) dst(%arg8 : memref<128x16xf32, #tpu.memory_space<vmem>>)
      "tpu.region"() ({
        %run_scoped3A = tpu.sem_alloc : memref<!tpu.dma_semaphore, #tpu.memory_space<semaphore_mem>>
        %dma_start3A_82 = arith.constant 0 : i32
        %dma_start3A_83 = tpu.memref_slice %arg7[%while3A_71, %dma_start3A_82] : memref<79x128xi32, #tpu.memory_space<vmem>> -> memref<1x128xi32, #tpu.memory_space<vmem>>
        %dma_start3A_84 = tpu.memref_squeeze %dma_start3A_83 : memref<1x128xi32, #tpu.memory_space<vmem>> -> memref<128xi32, #tpu.memory_space<vmem>>
        %dma_start3A_85 = arith.constant 0 : i32
        %dma_start3A_86 = arith.constant 0 : i32
        %dma_start3A_87 = tpu.memref_slice %arg10[%dma_start3A_85, %dma_start3A_86] : memref<10112x16xf32, #tpu.memory_space<vmem_shared>> -> memref<10112x16xf32, #tpu.memory_space<vmem_shared>>
        tpu.enqueue_indirect_dma source(%arg8 : memref<128x16xf32, #tpu.memory_space<vmem>>) target(%dma_start3A_87 : memref<10112x16xf32, #tpu.memory_space<vmem_shared>>) offsets(%dma_start3A_84 : memref<128xi32, #tpu.memory_space<vmem>>) semaphore(%run_scoped3A : memref<!tpu.dma_semaphore, #tpu.memory_space<semaphore_mem>>) {add = true}
        %dma_wait3A_88 = arith.constant 0 : i32
        %dma_wait3A_89 = tpu.memref_slice %arg7[%while3A_71, %dma_wait3A_88] : memref<79x128xi32, #tpu.memory_space<vmem>> -> memref<1x128xi32, #tpu.memory_space<vmem>>
        %dma_wait3A_90 = tpu.memref_squeeze %dma_wait3A_89 : memref<1x128xi32, #tpu.memory_space<vmem>> -> memref<128xi32, #tpu.memory_space<vmem>>
        %dma_wait3A_91 = arith.constant 0 : i32
        %dma_wait3A_92 = arith.constant 0 : i32
        %dma_wait3A_93 = tpu.memref_slice %arg10[%dma_wait3A_91, %dma_wait3A_92] : memref<10112x16xf32, #tpu.memory_space<vmem_shared>> -> memref<10112x16xf32, #tpu.memory_space<vmem_shared>>
        tpu.wait_indirect_dma semaphore(%run_scoped3A : memref<!tpu.dma_semaphore, #tpu.memory_space<semaphore_mem>>) src(%arg8 : memref<128x16xf32, #tpu.memory_space<vmem>>) dst(%dma_wait3A_93 : memref<10112x16xf32, #tpu.memory_space<vmem_shared>>)
        tpu.yield
      }) : () -> ()
    }
    %barrier3A_66 = arith.constant 0 : index
    tpu.barrier barrier_id(%barrier3A_66)
    %mul3A_67 = arith.constant 632 : i32
    %mul3A_68 = arith.muli %arg1, %mul3A_67 : i32
    %mul3A_69 = arith.constant 632 : i32
    %mul3A_70 = arith.muli %arg1, %mul3A_69 : i32
    "tpu.region"() ({
      %run_scoped3A = tpu.sem_alloc : memref<!tpu.dma_semaphore, #tpu.memory_space<semaphore_mem>>
      %dma_start3A = arith.constant 0 : i32
      %dma_start3A_71 = tpu.memref_slice %arg5[%arg0, %mul3A_70, %dma_start3A] : memref<2x10112x16xf32, #tpu.memory_space<hbm>> -> memref<1x632x16xf32, #tpu.memory_space<hbm>>
      %dma_start3A_72 = tpu.memref_squeeze %dma_start3A_71 : memref<1x632x16xf32, #tpu.memory_space<hbm>> -> memref<632x16xf32, #tpu.memory_space<hbm>>
      %dma_start3A_73 = arith.constant 0 : i32
      %dma_start3A_74 = tpu.memref_slice %arg10[%mul3A_68, %dma_start3A_73] : memref<10112x16xf32, #tpu.memory_space<vmem_shared>> -> memref<632x16xf32, #tpu.memory_space<vmem_shared>>
      tpu.enqueue_dma source(%dma_start3A_74 : memref<632x16xf32, #tpu.memory_space<vmem_shared>>) target(%dma_start3A_72 : memref<632x16xf32, #tpu.memory_space<hbm>>) target_semaphore(%run_scoped3A : memref<!tpu.dma_semaphore, #tpu.memory_space<semaphore_mem>>)
      %dma_wait3A = arith.constant 0 : i32
      %dma_wait3A_75 = tpu.memref_slice %arg5[%arg0, %mul3A_70, %dma_wait3A] : memref<2x10112x16xf32, #tpu.memory_space<hbm>> -> memref<1x632x16xf32, #tpu.memory_space<hbm>>
      %dma_wait3A_76 = tpu.memref_squeeze %dma_wait3A_75 : memref<1x632x16xf32, #tpu.memory_space<hbm>> -> memref<632x16xf32, #tpu.memory_space<hbm>>
      %dma_wait3A_77 = arith.constant 0 : i32
      %dma_wait3A_78 = tpu.memref_slice %arg10[%mul3A_68, %dma_wait3A_77] : memref<10112x16xf32, #tpu.memory_space<vmem_shared>> -> memref<632x16xf32, #tpu.memory_space<vmem_shared>>
      tpu.wait_dma2 semaphore(%run_scoped3A : memref<!tpu.dma_semaphore, #tpu.memory_space<semaphore_mem>>) src(%dma_wait3A_78 : memref<632x16xf32, #tpu.memory_space<vmem_shared>>) dst(%dma_wait3A_76 : memref<632x16xf32, #tpu.memory_space<hbm>>)
      tpu.yield
    }) : () -> ()
    return
  }
}

module attributes {stable_mosaic.version = 14 : i64} {
  func.func @body(%arg0: memref<10000x128xf32, #tpu.memory_space<vmem>>, %arg1: memref<128x16xf32, #tpu.memory_space<vmem>>, %arg2: memref<10112x16xf32, #tpu.memory_space<vmem>>) attributes {dimension_semantics = [], scalar_prefetch = 0 : i64, scratch_operands = 0 : i64, tpu.core_type = #tpu.core_type<tc>} {
    %get3A = arith.constant 0 : index
    %get3A_0 = arith.constant 0 : index
    %get3A_1 = vector.load %arg0[%get3A, %get3A_0] : memref<10000x128xf32, #tpu.memory_space<vmem>>, vector<10000x128xf32>
    %get3A_2 = arith.constant 0 : index
    %get3A_3 = arith.constant 0 : index
    %get3A_4 = vector.load %arg1[%get3A_2, %get3A_3] : memref<128x16xf32, #tpu.memory_space<vmem>>, vector<128x16xf32>
    %dot_general3A = arith.constant dense<0.000000e+00> : vector<10000x16xf32>
    %dot_general3A_5 = tpu.matmul %get3A_1, %get3A_4, %dot_general3A {dimension_numbers = #tpu.dot_dimension_numbers<[1], [0], [0], [1], [0, 0, 1, 1], [], []>, transpose_lhs_hint = false} : vector<10000x128xf32>, vector<128x16xf32>, vector<10000x16xf32> -> vector<10000x16xf32>
    %broadcast_in_dim3A = arith.constant 0.000000e+00 : f32
    %broadcast_in_dim3A_6 = vector.broadcast %broadcast_in_dim3A : f32 to vector<112x16xf32>
    %concatenate3A = tpu.concatenate %dot_general3A_5, %broadcast_in_dim3A_6 in 0 : vector<10000x16xf32>, vector<112x16xf32> -> vector<10112x16xf32>
    %swap3A = arith.constant 0 : index
    %swap3A_7 = arith.constant 0 : index
    %swap3A_8 = vector.load %arg2[%swap3A, %swap3A_7] : memref<10112x16xf32, #tpu.memory_space<vmem>>, vector<10112x16xf32>
    tpu.vector_store %arg2[%swap3A, %swap3A_7], %concatenate3A {strides = array<i32>} : memref<10112x16xf32, #tpu.memory_space<vmem>>, vector<10112x16xf32>,
    return
  }
}

module attributes {stable_mosaic.version = 14 : i64} {
  func.func @body(%arg0: memref<10112x16xf32, #tpu.memory_space<vmem>>, %arg1: memref<10112x16xf32, #tpu.memory_space<vmem>>, %arg2: memref<10112x16xf32, #tpu.memory_space<vmem>>, %arg3: memref<10112x16xf32, #tpu.memory_space<vmem>>, %arg4: memref<10112x16xf32, #tpu.memory_space<vmem>>, %arg5: memref<1x16xf32, #tpu.memory_space<vmem>>, %arg6: memref<1x16xf32, #tpu.memory_space<vmem>>, %arg7: memref<1x16xf32, #tpu.memory_space<vmem>>, %arg8: memref<16x16xf32, #tpu.memory_space<vmem>>, %arg9: memref<10112x16xf32, #tpu.memory_space<vmem>>) attributes {dimension_semantics = [], scalar_prefetch = 0 : i64, scratch_operands = 0 : i64, tpu.core_type = #tpu.core_type<tc>} {
    %iota3A = tpu.iota {dimensions = array<i32: 0>} : vector<10112x16xi32>
    %lt3A = arith.constant 10000 : i32
    %lt3A_0 = vector.broadcast %lt3A : i32 to vector<10112x16xi32>
    %lt3A_1 = arith.cmpi slt, %iota3A, %lt3A_0 : vector<10112x16xi32>
    %get3A = arith.constant 0 : index
    %get3A_2 = arith.constant 0 : index
    %get3A_3 = vector.load %arg2[%get3A, %get3A_2] : memref<10112x16xf32, #tpu.memory_space<vmem>>, vector<10112x16xf32>
    %get3A_4 = arith.constant 0 : index
    %get3A_5 = arith.constant 0 : index
    %get3A_6 = vector.load %arg3[%get3A_4, %get3A_5] : memref<10112x16xf32, #tpu.memory_space<vmem>>, vector<10112x16xf32>
    %add3A = arith.addf %get3A_3, %get3A_6 : vector<10112x16xf32>
    %add3A_7 = arith.constant 1.000000e+00 : f32
    %add3A_8 = vector.broadcast %add3A_7 : f32 to vector<10112x16xf32>
    %add3A_9 = arith.addf %add3A, %add3A_8 : vector<10112x16xf32>
    %rsqrt3A = math.rsqrt %add3A_9 : vector<10112x16xf32>
    %jit3A = arith.constant 0.000000e+00 : f32
    %broadcast_in_dim3A = vector.broadcast %jit3A : f32 to vector<10112x16xf32>
    %select_n3A = arith.select %lt3A_1, %rsqrt3A, %broadcast_in_dim3A : vector<10112x16xi1>, vector<10112x16xf32>
    %get3A_10 = arith.constant 0 : index
    %get3A_11 = arith.constant 0 : index
    %get3A_12 = vector.load %arg0[%get3A_10, %get3A_11] : memref<10112x16xf32, #tpu.memory_space<vmem>>, vector<10112x16xf32>
    %get3A_13 = arith.constant 0 : index
    %get3A_14 = arith.constant 0 : index
    %get3A_15 = vector.load %arg1[%get3A_13, %get3A_14] : memref<10112x16xf32, #tpu.memory_space<vmem>>, vector<10112x16xf32>
    %add3A_16 = arith.addf %get3A_12, %get3A_15 : vector<10112x16xf32>
    %get3A_17 = arith.constant 0 : index
    %get3A_18 = arith.constant 0 : index
    %get3A_19 = vector.load %arg4[%get3A_17, %get3A_18] : memref<10112x16xf32, #tpu.memory_space<vmem>>, vector<10112x16xf32>
    %mul3A = arith.mulf %select_n3A, %get3A_19 : vector<10112x16xf32>
    %add3A_20 = arith.addf %add3A_16, %mul3A : vector<10112x16xf32>
    %mul3A_21 = arith.mulf %select_n3A, %add3A_20 : vector<10112x16xf32>
    %get3A_22 = arith.constant 0 : index
    %get3A_23 = arith.constant 0 : index
    %get3A_24 = vector.load %arg5[%get3A_22, %get3A_23] : memref<1x16xf32, #tpu.memory_space<vmem>>, vector<1x16xf32>
    %add3A_25 = vector.broadcast %get3A_24 : vector<1x16xf32> to vector<10112x16xf32>
    %add3A_26 = arith.addf %mul3A_21, %add3A_25 : vector<10112x16xf32>
    %jit3A_27 = arith.constant 0.000000e+00 : f32
    %broadcast_in_dim3A_28 = vector.broadcast %jit3A_27 : f32 to vector<10112x16xf32>
    %select_n3A_29 = arith.select %lt3A_1, %add3A_26, %broadcast_in_dim3A_28 : vector<10112x16xi1>, vector<10112x16xf32>
    %reduce_sum3A = arith.constant dense<0.000000e+00> : vector<16xf32>
    %reduce_sum3A_30 = vector.multi_reduction <add>, %select_n3A_29, %reduce_sum3A [0] : vector<10112x16xf32> to vector<16xf32>
    %broadcast_in_dim3A_31 = vector.shape_cast %reduce_sum3A_30 : vector<16xf32> to vector<1x16xf32>
    %mul3A_32 = arith.constant 9.99999974E-5 : f32
    %mul3A_33 = vector.broadcast %mul3A_32 : f32 to vector<1x16xf32>
    %mul3A_34 = arith.mulf %broadcast_in_dim3A_31, %mul3A_33 : vector<1x16xf32>
    %sub3A = vector.broadcast %mul3A_34 : vector<1x16xf32> to vector<10112x16xf32>
    %sub3A_35 = arith.subf %add3A_26, %sub3A : vector<10112x16xf32>
    %mul3A_36 = arith.mulf %sub3A_35, %sub3A_35 : vector<10112x16xf32>
    %jit3A_37 = arith.constant 0.000000e+00 : f32
    %broadcast_in_dim3A_38 = vector.broadcast %jit3A_37 : f32 to vector<10112x16xf32>
    %select_n3A_39 = arith.select %lt3A_1, %mul3A_36, %broadcast_in_dim3A_38 : vector<10112x16xi1>, vector<10112x16xf32>
    %reduce_sum3A_40 = arith.constant dense<0.000000e+00> : vector<16xf32>
    %reduce_sum3A_41 = vector.multi_reduction <add>, %select_n3A_39, %reduce_sum3A_40 [0] : vector<10112x16xf32> to vector<16xf32>
    %broadcast_in_dim3A_42 = vector.shape_cast %reduce_sum3A_41 : vector<16xf32> to vector<1x16xf32>
    %mul3A_43 = arith.constant 9.99999974E-5 : f32
    %mul3A_44 = vector.broadcast %mul3A_43 : f32 to vector<1x16xf32>
    %mul3A_45 = arith.mulf %broadcast_in_dim3A_42, %mul3A_44 : vector<1x16xf32>
    %add3A_46 = arith.constant 9.99999974E-6 : f32
    %add3A_47 = vector.broadcast %add3A_46 : f32 to vector<1x16xf32>
    %add3A_48 = arith.addf %mul3A_45, %add3A_47 : vector<1x16xf32>
    %rsqrt3A_49 = math.rsqrt %add3A_48 : vector<1x16xf32>
    %mul3A_50 = vector.broadcast %rsqrt3A_49 : vector<1x16xf32> to vector<10112x16xf32>
    %mul3A_51 = arith.mulf %sub3A_35, %mul3A_50 : vector<10112x16xf32>
    %get3A_52 = arith.constant 0 : index
    %get3A_53 = arith.constant 0 : index
    %get3A_54 = vector.load %arg6[%get3A_52, %get3A_53] : memref<1x16xf32, #tpu.memory_space<vmem>>, vector<1x16xf32>
    %mul3A_55 = vector.broadcast %get3A_54 : vector<1x16xf32> to vector<10112x16xf32>
    %mul3A_56 = arith.mulf %mul3A_51, %mul3A_55 : vector<10112x16xf32>
    %get3A_57 = arith.constant 0 : index
    %get3A_58 = arith.constant 0 : index
    %get3A_59 = vector.load %arg7[%get3A_57, %get3A_58] : memref<1x16xf32, #tpu.memory_space<vmem>>, vector<1x16xf32>
    %add3A_60 = vector.broadcast %get3A_59 : vector<1x16xf32> to vector<10112x16xf32>
    %add3A_61 = arith.addf %mul3A_56, %add3A_60 : vector<10112x16xf32>
    %max3A = arith.constant 0.000000e+00 : f32
    %max3A_62 = vector.broadcast %max3A : f32 to vector<10112x16xf32>
    %max3A_63 = arith.maximumf %add3A_61, %max3A_62 : vector<10112x16xf32>
    %jit3A_64 = arith.constant 0.000000e+00 : f32
    %broadcast_in_dim3A_65 = vector.broadcast %jit3A_64 : f32 to vector<10112x16xf32>
    %select_n3A_66 = arith.select %lt3A_1, %max3A_63, %broadcast_in_dim3A_65 : vector<10112x16xi1>, vector<10112x16xf32>
    %get3A_67 = arith.constant 0 : index
    %get3A_68 = arith.constant 0 : index
    %get3A_69 = vector.load %arg8[%get3A_67, %get3A_68] : memref<16x16xf32, #tpu.memory_space<vmem>>, vector<16x16xf32>
    %dot_general3A = arith.constant dense<0.000000e+00> : vector<10112x16xf32>
    %dot_general3A_70 = tpu.matmul %select_n3A_66, %get3A_69, %dot_general3A {dimension_numbers = #tpu.dot_dimension_numbers<[1], [0], [0], [1], [0, 0, 1, 1], [], []>, transpose_lhs_hint = false} : vector<10112x16xf32>, vector<16x16xf32>, vector<10112x16xf32> -> vector<10112x16xf32>
    %mul3A_71 = arith.mulf %select_n3A, %dot_general3A_70 : vector<10112x16xf32>
    %swap3A = arith.constant 0 : index
    %swap3A_72 = arith.constant 0 : index
    %swap3A_73 = vector.load %arg9[%swap3A, %swap3A_72] : memref<10112x16xf32, #tpu.memory_space<vmem>>, vector<10112x16xf32>
    tpu.vector_store %arg9[%swap3A, %swap3A_72], %mul3A_71 {strides = array<i32>} : memref<10112x16xf32, #tpu.memory_space<vmem>>, vector<10112x16xf32>,
    return
  }
}

module attributes {stable_mosaic.version = 14 : i64} {
  func.func @body(%arg0: memref<10112x16xf32, #tpu.memory_space<vmem>>, %arg1: memref<10112x16xf32, #tpu.memory_space<vmem>>, %arg2: memref<10112x16xf32, #tpu.memory_space<vmem>>, %arg3: memref<10112x16xf32, #tpu.memory_space<vmem>>, %arg4: memref<10112x16xf32, #tpu.memory_space<vmem>>, %arg5: memref<1x16xf32, #tpu.memory_space<vmem>>, %arg6: memref<1x16xf32, #tpu.memory_space<vmem>>, %arg7: memref<1x16xf32, #tpu.memory_space<vmem>>, %arg8: memref<16x64xf32, #tpu.memory_space<vmem>>, %arg9: memref<1x64xf32, #tpu.memory_space<vmem>>, %arg10: memref<10000x64xf32, #tpu.memory_space<vmem>>) attributes {dimension_semantics = [], scalar_prefetch = 0 : i64, scratch_operands = 0 : i64, tpu.core_type = #tpu.core_type<tc>} {
    %iota3A = tpu.iota {dimensions = array<i32: 0>} : vector<10112x16xi32>
    %lt3A = arith.constant 10000 : i32
    %lt3A_0 = vector.broadcast %lt3A : i32 to vector<10112x16xi32>
    %lt3A_1 = arith.cmpi slt, %iota3A, %lt3A_0 : vector<10112x16xi32>
    %get3A = arith.constant 0 : index
    %get3A_2 = arith.constant 0 : index
    %get3A_3 = vector.load %arg2[%get3A, %get3A_2] : memref<10112x16xf32, #tpu.memory_space<vmem>>, vector<10112x16xf32>
    %get3A_4 = arith.constant 0 : index
    %get3A_5 = arith.constant 0 : index
    %get3A_6 = vector.load %arg3[%get3A_4, %get3A_5] : memref<10112x16xf32, #tpu.memory_space<vmem>>, vector<10112x16xf32>
    %add3A = arith.addf %get3A_3, %get3A_6 : vector<10112x16xf32>
    %add3A_7 = arith.constant 1.000000e+00 : f32
    %add3A_8 = vector.broadcast %add3A_7 : f32 to vector<10112x16xf32>
    %add3A_9 = arith.addf %add3A, %add3A_8 : vector<10112x16xf32>
    %rsqrt3A = math.rsqrt %add3A_9 : vector<10112x16xf32>
    %jit3A = arith.constant 0.000000e+00 : f32
    %broadcast_in_dim3A = vector.broadcast %jit3A : f32 to vector<10112x16xf32>
    %select_n3A = arith.select %lt3A_1, %rsqrt3A, %broadcast_in_dim3A : vector<10112x16xi1>, vector<10112x16xf32>
    %get3A_10 = arith.constant 0 : index
    %get3A_11 = arith.constant 0 : index
    %get3A_12 = vector.load %arg0[%get3A_10, %get3A_11] : memref<10112x16xf32, #tpu.memory_space<vmem>>, vector<10112x16xf32>
    %get3A_13 = arith.constant 0 : index
    %get3A_14 = arith.constant 0 : index
    %get3A_15 = vector.load %arg1[%get3A_13, %get3A_14] : memref<10112x16xf32, #tpu.memory_space<vmem>>, vector<10112x16xf32>
    %add3A_16 = arith.addf %get3A_12, %get3A_15 : vector<10112x16xf32>
    %get3A_17 = arith.constant 0 : index
    %get3A_18 = arith.constant 0 : index
    %get3A_19 = vector.load %arg4[%get3A_17, %get3A_18] : memref<10112x16xf32, #tpu.memory_space<vmem>>, vector<10112x16xf32>
    %add3A_20 = arith.addf %add3A_16, %get3A_19 : vector<10112x16xf32>
    %mul3A = arith.mulf %select_n3A, %add3A_20 : vector<10112x16xf32>
    %get3A_21 = arith.constant 0 : index
    %get3A_22 = arith.constant 0 : index
    %get3A_23 = vector.load %arg5[%get3A_21, %get3A_22] : memref<1x16xf32, #tpu.memory_space<vmem>>, vector<1x16xf32>
    %add3A_24 = vector.broadcast %get3A_23 : vector<1x16xf32> to vector<10112x16xf32>
    %add3A_25 = arith.addf %mul3A, %add3A_24 : vector<10112x16xf32>
    %jit3A_26 = arith.constant 0.000000e+00 : f32
    %broadcast_in_dim3A_27 = vector.broadcast %jit3A_26 : f32 to vector<10112x16xf32>
    %select_n3A_28 = arith.select %lt3A_1, %add3A_25, %broadcast_in_dim3A_27 : vector<10112x16xi1>, vector<10112x16xf32>
    %reduce_sum3A = arith.constant dense<0.000000e+00> : vector<16xf32>
    %reduce_sum3A_29 = vector.multi_reduction <add>, %select_n3A_28, %reduce_sum3A [0] : vector<10112x16xf32> to vector<16xf32>
    %broadcast_in_dim3A_30 = vector.shape_cast %reduce_sum3A_29 : vector<16xf32> to vector<1x16xf32>
    %mul3A_31 = arith.constant 9.99999974E-5 : f32
    %mul3A_32 = vector.broadcast %mul3A_31 : f32 to vector<1x16xf32>
    %mul3A_33 = arith.mulf %broadcast_in_dim3A_30, %mul3A_32 : vector<1x16xf32>
    %sub3A = vector.broadcast %mul3A_33 : vector<1x16xf32> to vector<10112x16xf32>
    %sub3A_34 = arith.subf %add3A_25, %sub3A : vector<10112x16xf32>
    %mul3A_35 = arith.mulf %sub3A_34, %sub3A_34 : vector<10112x16xf32>
    %jit3A_36 = arith.constant 0.000000e+00 : f32
    %broadcast_in_dim3A_37 = vector.broadcast %jit3A_36 : f32 to vector<10112x16xf32>
    %select_n3A_38 = arith.select %lt3A_1, %mul3A_35, %broadcast_in_dim3A_37 : vector<10112x16xi1>, vector<10112x16xf32>
    %reduce_sum3A_39 = arith.constant dense<0.000000e+00> : vector<16xf32>
    %reduce_sum3A_40 = vector.multi_reduction <add>, %select_n3A_38, %reduce_sum3A_39 [0] : vector<10112x16xf32> to vector<16xf32>
    %broadcast_in_dim3A_41 = vector.shape_cast %reduce_sum3A_40 : vector<16xf32> to vector<1x16xf32>
    %mul3A_42 = arith.constant 9.99999974E-5 : f32
    %mul3A_43 = vector.broadcast %mul3A_42 : f32 to vector<1x16xf32>
    %mul3A_44 = arith.mulf %broadcast_in_dim3A_41, %mul3A_43 : vector<1x16xf32>
    %add3A_45 = arith.constant 9.99999974E-6 : f32
    %add3A_46 = vector.broadcast %add3A_45 : f32 to vector<1x16xf32>
    %add3A_47 = arith.addf %mul3A_44, %add3A_46 : vector<1x16xf32>
    %rsqrt3A_48 = math.rsqrt %add3A_47 : vector<1x16xf32>
    %mul3A_49 = vector.broadcast %rsqrt3A_48 : vector<1x16xf32> to vector<10112x16xf32>
    %mul3A_50 = arith.mulf %sub3A_34, %mul3A_49 : vector<10112x16xf32>
    %get3A_51 = arith.constant 0 : index
    %get3A_52 = arith.constant 0 : index
    %get3A_53 = vector.load %arg6[%get3A_51, %get3A_52] : memref<1x16xf32, #tpu.memory_space<vmem>>, vector<1x16xf32>
    %mul3A_54 = vector.broadcast %get3A_53 : vector<1x16xf32> to vector<10112x16xf32>
    %mul3A_55 = arith.mulf %mul3A_50, %mul3A_54 : vector<10112x16xf32>
    %get3A_56 = arith.constant 0 : index
    %get3A_57 = arith.constant 0 : index
    %get3A_58 = vector.load %arg7[%get3A_56, %get3A_57] : memref<1x16xf32, #tpu.memory_space<vmem>>, vector<1x16xf32>
    %add3A_59 = vector.broadcast %get3A_58 : vector<1x16xf32> to vector<10112x16xf32>
    %add3A_60 = arith.addf %mul3A_55, %add3A_59 : vector<10112x16xf32>
    %slice3A = vector.extract_strided_slice %add3A_60 {offsets = [0, 0], sizes = [10000, 16], strides = [1, 1]} : vector<10112x16xf32> to vector<10000x16xf32>
    %max3A = arith.constant 0.000000e+00 : f32
    %max3A_61 = vector.broadcast %max3A : f32 to vector<10000x16xf32>
    %max3A_62 = arith.maximumf %slice3A, %max3A_61 : vector<10000x16xf32>
    %get3A_63 = arith.constant 0 : index
    %get3A_64 = arith.constant 0 : index
    %get3A_65 = vector.load %arg8[%get3A_63, %get3A_64] : memref<16x64xf32, #tpu.memory_space<vmem>>, vector<16x64xf32>
    %dot_general3A = arith.constant dense<0.000000e+00> : vector<10000x64xf32>
    %dot_general3A_66 = tpu.matmul %max3A_62, %get3A_65, %dot_general3A {dimension_numbers = #tpu.dot_dimension_numbers<[1], [0], [0], [1], [0, 0, 1, 1], [], []>, transpose_lhs_hint = false} : vector<10000x16xf32>, vector<16x64xf32>, vector<10000x64xf32> -> vector<10000x64xf32>
    %get3A_67 = arith.constant 0 : index
    %get3A_68 = arith.constant 0 : index
    %get3A_69 = vector.load %arg9[%get3A_67, %get3A_68] : memref<1x64xf32, #tpu.memory_space<vmem>>, vector<1x64xf32>
    %add3A_70 = vector.broadcast %get3A_69 : vector<1x64xf32> to vector<10000x64xf32>
    %add3A_71 = arith.addf %dot_general3A_66, %add3A_70 : vector<10000x64xf32>
    %swap3A = arith.constant 0 : index
    %swap3A_72 = arith.constant 0 : index
    %swap3A_73 = vector.load %arg10[%swap3A, %swap3A_72] : memref<10000x64xf32, #tpu.memory_space<vmem>>, vector<10000x64xf32>
    tpu.vector_store %arg10[%swap3A, %swap3A_72], %add3A_71 {strides = array<i32>} : memref<10000x64xf32, #tpu.memory_space<vmem>>, vector<10000x64xf32>,
    return
  }
}

</mosaic_0001>

<sc_bundles>
// kernel: kernel.11.cloned.1.call-start
scs
__scs_entry_jumppad:
0x0: {  	(pc) =	sbr.rel $0x88, $3  }
0x1: {  	(tag) =	ssettag $0x0;
	lr =	simm.s32 $0x1  }
0x2: {  	[smem:$0x3F95] =	sst lr;
	_ =	strace $0xD0000000  }
0x3: {  	_ = 	snop  }
0x4: {  	_ = 	snop  }
0x5: {  	_ = 	snop  }
0x6: {  	_ = 	snop  }
0x7: {  	_ = 	snop  }
__scs_overlays_trampoline_lowered:
0x8: {  	[smem:$0x3FA4] =	sst s0  }
0x9: {  	[smem:$0x3FA5] =	sst s1  }
0xa: {  	[smem:$0x3FA6] =	sst s2  }
0xb: {  	[smem:$0x3FA7] =	sst s3  }
0xc: {  	[smem:$0x3FA8] =	sst s4  }
0xd: {  	[smem:$0x3FA9] =	sst s5  }
0xe: {  	[smem:$0x3FAA] =	sst s6  }
0xf: {  	[smem:$0x3FAB] =	sst s7  }
0x10: {  	[smem:$0x3FAC] =	sst s8  }
0x11: {  	[smem:$0x3FAD] =	sst s9;
	s0 =	simm.s32 @!p0 $0x0  }
0x12: {  	s1 =	sld [smem:$0x3F93];
	s0 =	simm.s32 @p0 $0x1  }
0x13: {  	[smem:$0x3FAE] =	sst s0;
	s0 =	simm.s32 @!p1 $0x0  }
0x14: {  	s2 =	sld [smem:$0x3F92];
	s0 =	simm.s32 @p1 $0x1  }
0x15: {  	[smem:$0x3FAF] =	sst s0;
	s0 =	simm.s32 @!p2 $0x0  }
0x16: {  	s3 =	sld [smem:$0x3FDB];
	s0 =	simm.s32 @p2 $0x1  }
0x17: {  	s4 =	simm.s32 $0x1BF5;
	[smem:$0x3FB1] =	sst s0  }
0x18: {  	s0 =	sld [smem:$0x3F94];
	_ =	swait.ge [sflag:s4], $0x0  }
0x19: {  	s7 =	sld [smem:$0x3F95]  }
0x1a: {  	s8 =	sadd.s32 $0xFFFFE003, lr  }
0x1b: {  	s9 =	sadd.s32 $0xFFFFFEF7, lr;
	s5 =	simm.s32 $0xFFFFFFFF;
	p2 =	slt.u32 s8, $0xFFFFF086  }
0x1c: {  	p1 =	slt.u32 s9, $0xF7A;
	s5 =	simm.s32 @!p2 $0x0  }
0x1d: {  	s5 =	simm.s32 @p1 $0x1;
	p0 =	seq.s32 s7, s2  }
0x1e: {  	s7 =	smul.u32 @!p0 $0xF7A, s2;
	p2 =	seq.s32 @!p0 s5, $0x0  }
0x1f: {  	s9 =	smul.u32 $0xF7A, s1;
	s8 =	simm.s32 @!p0 $0x1BF5;
	p2 =	por !p2, p0  }
0x20: {  	[sflag:s8] =	ssyncset.s32 @!p0 $0xFFFFF086;
	s6 =	sadd.s32 @!p0 s3, s7;
	s7 =	simm.s32 @!p0 $0x108  }
0x21: {  	s3 =	sadd.s32 s3, s9;
	s6 =	sadd.s32 @!p0 $0x88, s6;
	s7 =	simm.s32 @p2 $0x1082  }
0x22: {  	[simem:s7], [sflag:s8] =	dma.local @!p0 [hbm:s6], $0xF7A  }
0x23: {  	s9 =	sor.u32 $0xD0000000, s2;
	s6 =	simm.s32 $0x108;
	_ =	swait.ge @!p0 [sflag:s8], $0x0  }
0x24: {  	s3 =	sadd.s32 $0x88, s3;
	s6 =	simm.s32 @!p1 $0x1082;
	[sflag:s4] =	ssyncset.s32 $0xFFFFF086  }
0x25: {  	[simem:s6], [sflag:s4] =	dma.local [hbm:s3], $0xF7A  }
0x26: {  	[smem:$0x3F95] =	sst s1;
	(tag) =	ssettag s2;
	_ =	strace s9  }
0x27: {  	s1 =	sld [smem:$0x3FA5]  }
0x28: {  	s2 =	sld [smem:$0x3FA6]  }
0x29: {  	s4 =	sld [smem:$0x3FA8]  }
0x2a: {  	p0 =	seq.s32 s5, $0x0;
	s5 =	sld [smem:$0x3FA9]  }
0x2b: {  	s6 =	sld [smem:$0x3FAA]  }
0x2c: {  	s7 =	sld [smem:$0x3FAB]  }
0x2d: {  	s3 =	simm.s32 $0x108;
	s8 =	sld [smem:$0x3FAC]  }
0x2e: {  	s3 =	simm.s32 @!p0 $0x1082;
	s9 =	sld [smem:$0x3FAD]  }
0x2f: {  	lr =	sadd.s32 s0, s3;
	s0 =	sld [smem:$0x3FA4]  }
0x30: {  	s3 =	sld [smem:$0x3FA7]  }
0x31: {  	[smem:$0x3FB0] =	sst s10  }
0x32: {  	s10 =	sld [smem:$0x3FAE];
	_ =	sdelay $0x3  }
0x33: {  	p0 =	seq.s32 s10, $0x1;
	s10 =	sld [smem:$0x3FB0];
	_ =	sdelay $0x3  }
0x34: {  	[smem:$0x3FB0] =	sst s10  }
0x35: {  	s10 =	sld [smem:$0x3FAF];
	_ =	sdelay $0x3  }
0x36: {  	p1 =	seq.s32 s10, $0x1;
	s10 =	sld [smem:$0x3FB0];
	_ =	sdelay $0x3  }
0x37: {  	[smem:$0x3FB0] =	sst s10  }
0x38: {  	s10 =	sld [smem:$0x3FB1]  }
0x39: {  	_ = 	snop;
	(pc) =	sbr.ind lr, $3  }
0x3a: {  	_ = 	snop  }
0x3b: {  	_ = 	snop  }
0x3c: {  	p2 =	seq.s32 s10, $0x1;
	s10 =	sld [smem:$0x3FB0]  }
0x3d: {  	_ =	shalt  }
0x3e: {  	_ =	shalt  }
0x3f: {  	_ =	shalt  }
0x40: {  	_ =	shalt  }
0x41: {  	_ =	shalt  }
0x42: {  	_ =	shalt  }
0x43: {  	_ =	shalt  }
0x44: {  	_ =	shalt  }
0x45: {  	_ =	shalt  }
0x46: {  	_ =	shalt  }
0x47: {  	_ =	shalt  }
0x48: {  	_ =	shalt  }
0x49: {  	_ =	shalt  }
0x4a: {  	_ =	shalt  }
0x4b: {  	_ =	shalt  }
0x4c: {  	_ =	shalt  }
0x4d: {  	_ =	shalt  }
0x4e: {  	_ =	shalt  }
0x4f: {  	_ =	shalt  }
0x50: {  	_ =	shalt  }
0x51: {  	_ =	shalt  }
0x52: {  	_ =	shalt  }
0x53: {  	_ =	shalt  }
0x54: {  	_ =	shalt  }
0x55: {  	_ =	shalt  }
0x56: {  	_ =	shalt  }
0x57: {  	_ =	shalt  }
0x58: {  	_ =	shalt  }
0x59: {  	_ =	shalt  }
0x5a: {  	_ =	shalt  }
0x5b: {  	_ =	shalt  }
0x5c: {  	_ =	shalt  }
0x5d: {  	_ =	shalt  }
0x5e: {  	_ =	shalt  }
0x5f: {  	_ =	shalt  }
0x60: {  	_ =	shalt  }
0x61: {  	_ =	shalt  }
0x62: {  	_ =	shalt  }
0x63: {  	_ =	shalt  }
0x64: {  	_ =	shalt  }
0x65: {  	_ =	shalt  }
0x66: {  	_ =	shalt  }
0x67: {  	_ =	shalt  }
0x68: {  	_ =	shalt  }
0x69: {  	_ =	shalt  }
0x6a: {  	_ =	shalt  }
0x6b: {  	_ =	shalt  }
0x6c: {  	_ =	shalt  }
0x6d: {  	_ =	shalt  }
0x6e: {  	_ =	shalt  }
0x6f: {  	_ =	shalt  }
0x70: {  	_ =	shalt  }
0x71: {  	_ =	shalt  }
0x72: {  	_ =	shalt  }
0x73: {  	_ =	shalt  }
0x74: {  	_ =	shalt  }
0x75: {  	_ =	shalt  }
0x76: {  	_ =	shalt  }
0x77: {  	_ =	shalt  }
0x78: {  	_ =	shalt  }
0x79: {  	_ =	shalt  }
0x7a: {  	_ =	shalt  }
0x7b: {  	_ =	shalt  }
0x7c: {  	_ =	shalt  }
0x7d: {  	_ =	shalt  }
0x7e: {  	_ =	shalt  }
0x7f: {  	_ =	shalt  }
0x80: {  	_ =	shalt  }
0x81: {  	_ =	shalt  }
0x82: {  	_ =	shalt  }
0x83: {  	_ =	shalt  }
0x84: {  	_ =	shalt  }
0x85: {  	_ =	shalt  }
0x86: {  	_ =	shalt  }
0x87: {  	_ =	shalt  }
.Lfunc_end0:
.L_simem_size_0:
called_computation.1_lowered:
.L_overlay_start_0:
0x88: {  	s2 =	sld [smem:$0x3FD9]  }
0x89: {  	s3 =	sld [smem:$0x3FFE];
	_ =	sdelay $0x1  }
0x8a: {  	s1 =	srdreg.scid  }
0x8b: {  	s0 =	sand.u32 $0x1, s1  }
0x8c: {  	s17 =	sshll.u32 s0, $0xA;
	s2 =	sadd.s32 s3, s2  }
0x8d: {  	s2 =	sadd.s32 s2, s17  }
0x8e: {  	[smem:$0x3FBC] =	sst s2  }
0x8f: {  	_ = 	snop  }
0x90: {  	s2 =	sld [smem:$0x3FD0];
	(tm) =	ssettm $0x1  }
0x91: {  	s18 =	sld [smem:$0x3FFB];
	_ =	sdelay $0x3  }
0x92: {  	_ =	strace s18  }
0x93: {  	s3 =	sld [smem:$0x3FFC];
	_ =	sdelay $0x3  }
0x94: {  	_ =	strace s3  }
0x95: {  	s3 =	sld [smem:$0x3FFD];
	_ =	sdelay $0x3  }
0x96: {  	_ =	strace s3  }
0x97: {  	_ =	strace $0x8FFFFFFF  }
0x98: {  	s19 =	sld [smem:$0x3FDB];
	_ =	sdelay $0x1  }
0x99: {  	s4 =	simm.s32 $_scs_section_size  }
0x9a: {  	s5 =	simm.s32 $_size__tile_overlayer_lowered;
	s6 =	simm.s32 $_tile_overlayer_lowered  }
0x9b: {  	s22 =	simm.s32 $0x1BFF;
	s21 =	sshll.u32 s6, $0x1;
	s3 =	sadd.s32 s4, s19  }
0x9c: {  	s7 =	simm.s32 $0x0;
	s20 =	sshll.u32 s5, $0x1;
	s5 =	sadd.s32 s21, s3  }
0x9d: {  	[timem:s7], [sflag:s22] =	dma.local [hbm:s5], s20  }
0x9e: {  	_ =	swait.ge [sflag:s22], s20  }
0x9f: {  	s4 =	ssub.s32 $0x0, s20;
	[sflag:s22] =	ssyncset.done $0x0  }
0xa0: {  	[sflag:s22] =	ssyncadd.s32 s4;
	_ =	sdelay $0x1  }
0xa1: {  	s23 =	simm.s32 $0x1B8B  }
0xa2: {  	_ =	swait.ge [sflag:s23], $0x1  }
0xa3: {  	[sflag:s23] =	ssyncset.done $0x0  }
0xa4: {  	s25 =	simm.s32 $0x1B8E;
	s24 =	sld [smem:$0x3FFE];
	[sflag:s23] =	ssyncadd.s32 $0xFFFFFFFF  }
0xa5: {  	s26 =	simm.s32 $execute0_lowered;
	[smem:$0x3FD2] =	sst s25  }
0xa6: {  	s5 =	sshll.u32 s26, $0x1;
	_ =	strace $0x80000049;
	[dreg:$0x1] =	wrdreg $0xFFFFFFFF  }
0xa7: {  	s28 =	simm.s32 $_size_execute0_lowered;
	s3 =	sadd.s32 s3, s5;
	[dreg:$0x0] =	wrdreg $0x0  }
0xa8: {  	s5 =	sshll.u32 s28, $0x1;
	[dreg:$0x2] =	wrdreg s3  }
0xa9: {  	[dreg:$0x3] =	wrdreg s5  }
0xaa: {  	[dreg:$0x4] =	wrdreg $0xC0  }
0xab: {  	_ =	task [dreg:s7], $0x5FFFF  }
0xac: {  	[dreg:$0x1] =	wrdreg $0xFFFFFFFF  }
0xad: {  	[dreg:$0x0] =	wrdreg $0x60  }
0xae: {  	[dreg:$0x2] =	wrdreg s24  }
0xaf: {  	[dreg:$0x3] =	wrdreg s2  }
0xb0: {  	[dreg:$0x4] =	wrdreg $0xF5000  }
0xb1: {  	[dreg:$0x5] =	wrdreg $0x11C800  }
0xb2: {  	[dreg:$0x6] =	wrdreg $0x9  }
0xb3: {  	_ =	task.clear_ibuf [dreg:s7], $0x7FFFF;
	_ =	strace $0x90000049  }
0xb4: {  	s29 =	simm.s32 $0x9;
	_ =	strace $0x8000004B  }
0xb5: {  	_ =	swait.ge [sflag:s29], $0x1  }
0xb6: {  	[sflag:s29] =	ssyncadd.s32 $0xFFFFFFFF  }
0xb7: {  	_ =	strace $0x9000004B  }
0xb8: {  	_ =	sfence  }
0xb9: {  	s30 =	sld [smem:$0x0];
	_ =	sdelay $0x2  }
0xba: {  	s31 =	sshll.u32 s1, $0xD;
	s1 =	sshrl.u32 s1, $0x2  }
0xbb: {  	s3 =	sand.u32 $0x4000, s31;
	s1 =	sadd.s32 s1, s30  }
0xbc: {  	s0 =	sor.u32 s3, s0;
	s1 =	sshll.u32 s1, $0x11  }
0xbd: {  	s0 =	sor.u32 s1, s0  }
0xbe: {  	s0 =	sadd.s32 $0x8F2B, s0  }
0xbf: {  	[sflag:s0] =	ssyncadd.remote.s32 $0x1  }
0xc0: {  	_ =	sfence.sel $0xFFFF  }
0xc1: {  	[dreg:$0x0] =	wrdreg $0xFFFFFFFF;
	(pc) =	sbr.abs _section_cstart, $3  }
0xc2: {  	[dreg:$0x1] =	wrdreg $0xFFFFFFFF  }
0xc3: {  	_ =	task.clear_ibuf [dreg:s7], $0x2FFFF;
	_ =	strace $0x9FFFFFFF  }
0xc4: {  	(tm) =	ssettm $0x7FFFFFFF  }
0xc5: {  	_ =	shalt  }
tec
execute0_lowered:
.L_overlay_start_1:
0x0: {  	(tag) =	ssettag $0x1  }
0x1: {  	s5 =	rddreg [dreg:$0x0]  }
0x2: {  	s13 =	rddreg [dreg:$0x1]  }
0x3: {  	s2 =	rddreg [dreg:$0x2]  }
0x4: {  	s0 =	srdreg.scid;
	s3 =	rddreg [dreg:$0x3]  }
0x5: {  	s4 =	simm.s32 $0x0;
	s18 =	simm.s32 $0x7E80;
	s19 =	simm.s32 $0xA600  }
0x6: {  	s20 =	simm.s32 $0x2780;
	s21 =	simm.s32 $0x80;
	s22 =	simm.s32 $0x4F00  }
0x7: {  	s23 =	simm.s32 $0x1;
	s6 =	sand.u32 $0x1, s0;
	s0 =	stileid.u32  }
0x8: {  	[smem:$0x7FF] =	sst s4;
	s1 =	sshll.u32 s6, $0x4;
	s11 =	smul.u32 $0x2780, s0  }
0x9: {  	s10 =	ssub.s32 $0x2, s6;
	s17 =	smul.u32 $0x27800, s6;
	s7 =	sor.u32 s0, s1  }
0xa: {  	s1 =	rddreg [dreg:$0x4];
	_ =	strace $0x8000004A;
	s29 =	sshrl.u32 s10, $0x1  }
0xb: {  	s7 =	smul.u32 $0x9C4, s7;
	s9 =	sshrl.u32 s11, $0x3;
	s17 =	sadd.s32 s11, s17  }
0xc: {  	s14 =	ssub.s32 s10, s29;
	s28 =	sadd.s32 s9, s5;
	s31 =	sshrl.u32 s17, $0x3  }
0xd: {  	s14 =	smax.u32 s14, $0x1;
	s17 =	simm.s32 $0xCD80;
	s8 =	sshrl.u32 s7, $0x1  }
0xe: {  	s15 =	sshrl.u32 s7, $0x5;
	s30 =	sadd.s32 $0x9C4, s7;
	s6 =	sadd.s32 $0x47C00, s28  }
.Ltmp0:
0xf: {  	s7 =	sadd.s32 $0x16600, s28;
	s8 =	sand.u32 $0xFFF0, s8;
	(pc) =	sbr.rel .LBB2_1-.Ltmp0, $4  }
0x10: {  	s13 =	sadd.s32 s13, s31;
	s16 =	sshrl.u32 s30, $0x5;
	s12 =	sadd.s32 s8, s5  }
0x11: {  	s5 =	sadd.s32 s11, s2;
	s8 =	sadd.s32 $0x1B500, s28;
	s11 =	sadd.s32 s11, s3  }
0x12: {  	s9 =	sadd.s32 $0xC800, s12;
	s10 =	sadd.s32 $0x2A00, s12;
	s12 =	ssub.s32 s16, s15  }
0x13: {  	v0 =	vimm.f32 $0.0e+00;
	s15 =	simm.s32 $0x5700;
	s16 =	simm.s32 $0x2;
	p0 =	slt.s32 s12, $0x1  }
.LBB2_8:
0x14: {  	[sflag:s16] =	ssyncadd.s32 $0xFFFFF800  }
.LBB2_9:
0x15: {  	s4 =	sadd.s32 $0x1, s4  }
0x16: {  	s24 =	sshll.u32 s0, $0x6;
	[bflag:$0x0] =	sbarrier.arrive $0xFFFF;
	p1 =	sne.s32 s4, s14  }
.Ltmp1:
0x17: {  	s25 =	sshrl.u32 s5, $0x3;
	s24 =	sor.u32 $0x1C02, s24;
	(pc) =	sbr.rel @!p1 .LBB2_10-.Ltmp1, $4  }
0x18: {  	[hbm:s13], [sflag:s24] =	dma.local [spmem:s25], $0x4F0  }
0x19: {  	_ =	swait.ge [sflag:s16], $0x4F0  }
0x1a: {  	[sflag:s16] =	ssyncset.done $0x0  }
0x1b: {  	[sflag:s16] =	ssyncadd.s32 $0xFFFFFB10  }
.LBB2_1:
0x1c: {  	s24 =	simm.s32 $0x40;
	s25 =	simm.s32 $0x0  }
.LBB2_2:
0x1d: {  	p1 =	sne.s32 s24, $0x9DC0;
	[tilespmem:s25+$0x5700] =	vst v0;
	s25 =	smov.u32 s24;
	s24 =	sadd.s32 $0x40, s24  }
.Ltmp2:
0x1e: {  	(pc) =	sbr.rel @p1 .LBB2_2-.Ltmp2, $2  }
0x1f: {  	_ =	sdelay $0x2  }
0x20: {  	s25 =	sshra.s32 s25, $0x2  }
0x21: {  	[tilespmem:s25+$0x5700] =	vst v0  }
0x22: {  	[spmem:s5] =	stream.linear.scatter [tilespmem:s15], [sflag:$0x2], $0x2780, $0x38;
	[tilespmem:$0x14400] =	vst v63  }
0x23: {  	_ =	swait.ge [sflag:s16], $0x2780  }
0x24: {  	[sflag:s16] =	ssyncset.done $0x0  }
0x25: {  	s24 =	simm.s32 $0x0;
	[sflag:s16] =	ssyncadd.s32 $0xFFFFD880  }
0x26: {  	[tilespmem:s17], [sflag:$0x2] =	stream.linear.gather [hbm4b:s6+s24], $0x2780, $0x38;
	[tilespmem:$0x14400] =	vst v63  }
0x27: {  	_ =	swait.ge [sflag:s16], $0x2780  }
0x28: {  	[sflag:s16] =	ssyncset.done $0x0  }
0x29: {  	[sflag:s16] =	ssyncadd.s32 $0xFFFFD880  }
0x2a: {  	[tilespmem:s18], [sflag:$0x2] =	stream.linear.gather [hbm4b:s7+s24], $0x2780, $0x38;
	[tilespmem:$0x14400] =	vst v63  }
0x2b: {  	_ =	swait.ge [sflag:s16], $0x2780  }
0x2c: {  	[sflag:s16] =	ssyncset.done $0x0  }
0x2d: {  	[sflag:s16] =	ssyncadd.s32 $0xFFFFD880  }
0x2e: {  	[tilespmem:s19], [sflag:$0x2] =	stream.linear.gather [hbm4b:s8+s24], $0x2780, $0x38;
	[tilespmem:$0x14400] =	vst v63  }
0x2f: {  	_ =	swait.ge [sflag:s16], $0x2780  }
0x30: {  	[sflag:s16] =	ssyncset.done $0x0  }
0x31: {  	[sflag:s16] =	ssyncadd.s32 $0xFFFFD880  }
0x32: {  	[tilespmem:s24], [sflag:$0x2] =	stream.linear.gather [hbm4b:s9+s24], $0x2780, $0x38;
	[tilespmem:$0x14400] =	vst v63  }
0x33: {  	_ =	swait.ge [sflag:s16], $0x2780  }
0x34: {  	[sflag:s16] =	ssyncset.done $0x0  }
0x35: {  	[sflag:s16] =	ssyncadd.s32 $0xFFFFD880  }
0x36: {  	[tilespmem:s20], [sflag:$0x2] =	stream.linear.gather [hbm4b:s10+s24], $0x2780, $0x38;
	[tilespmem:$0x14400] =	vst v63  }
0x37: {  	_ =	swait.ge [sflag:s16], $0x2780  }
0x38: {  	[sflag:s16] =	ssyncset.done $0x0  }
0x39: {  	s29 =	simm.s32 $0x0;
	[sflag:s16] =	ssyncadd.s32 $0xFFFFD880  }
0x3a: {  	v1 =	vld [tilespmem:s29+$0x7E80]  }
0x3b: {  	v2 =	vld [tilespmem:s29+$0xA600];
	_ =	sdelay $0x4  }
0x3c: {  	v1 =	vadd.f32 v2, v1  }
0x3d: {  	s25 =	simm.s32 $0x10  }
0x3e: {  	v3 =	vld [tilespmem:s25+$0xA600];
	v1 =	vadd.f32 $1.000000000e+00, v1  }
0x3f: {  	v2 =	vld [tilespmem:s25+$0x7E80]  }
0x40: {  	v4 =	vshrl.u32 v1, $0x1;
	v6 =	vmul.f32 $5.000000000e-01, v1  }
0x41: {  	v1 =	vsub.s32 $0x5F3759DF, v4  }
0x42: {  	v4 =	vmul.f32 v1, v6;
	_ =	sdelay $0x1  }
0x43: {  	s24 =	simm.s32 $0x20;
	v2 =	vadd.f32 v3, v2;
	v3 =	vmul.f32 v1, v4  }
0x44: {  	v5 =	vld [tilespmem:s24+$0xA600]  }
0x45: {  	v2 =	vadd.f32 $1.000000000e+00, v2;
	v4 =	vld [tilespmem:s24+$0x7E80];
	v3 =	vsub.f32 $1.500000000e+00, v3;
	_ =	sdelay $0x1  }
0x46: {  	v7 =	vshrl.u32 v2, $0x1;
	v2 =	vmul.f32 $5.000000000e-01, v2;
	v3 =	vmul.f32 v1, v3  }
0x47: {  	v7 =	vsub.s32 $0x5F3759DF, v7  }
0x48: {  	v1 =	vmul.f32 v7, v2;
	v8 =	vmul.f32 v3, v6  }
0x49: {  	v4 =	vadd.f32 v5, v4  }
0x4a: {  	s26 =	simm.s32 $0x30;
	v1 =	vmul.f32 v7, v1;
	v5 =	vmul.f32 v8, v3  }
0x4b: {  	v10 =	vld [tilespmem:s26+$0xA600];
	v4 =	vadd.f32 $1.000000000e+00, v4  }
0x4c: {  	v8 =	vld [tilespmem:s26+$0x7E80];
	v9 =	vsub.f32 $1.500000000e+00, v1;
	v11 =	vsub.f32 $1.500000000e+00, v5  }
0x4d: {  	v1 =	vmul.f32 $5.000000000e-01, v4;
	v5 =	vshrl.u32 v4, $0x1  }
0x4e: {  	v4 =	vmul.f32 v7, v9;
	v5 =	vsub.s32 $0x5F3759DF, v5;
	v3 =	vmul.f32 v11, v3  }
0x4f: {  	v7 =	vmul.f32 v5, v1  }
0x50: {  	v9 =	vmul.f32 v4, v2;
	v11 =	vmul.f32 v3, v6  }
0x51: {  	s28 =	simm.s32 $0x40;
	v8 =	vadd.f32 v10, v8;
	v7 =	vmul.f32 v5, v7  }
0x52: {  	v6 =	vld [tilespmem:s28+$0x7E80];
	v12 =	vmul.f32 v9, v4;
	v13 =	vmul.f32 v11, v3  }
0x53: {  	v9 =	vadd.f32 $1.000000000e+00, v8;
	v8 =	vld [tilespmem:s29+$0xCD80];
	v10 =	vsub.f32 $1.500000000e+00, v7  }
0x54: {  	s30 =	simm.s32 $0x140;
	v7 =	vld [tilespmem:s28+$0xA600];
	v11 =	vsub.f32 $1.500000000e+00, v12;
	v12 =	vsub.f32 $1.500000000e+00, v13  }
.LBB2_4:
0x55: {  	p1 =	sne.s32 s30, $0x9DC0;
	v13 =	vshrl.u32 v9, $0x1;
	v9 =	vmul.f32 $5.000000000e-01, v9;
	v10 =	vmul.f32 v5, v10  }
0x56: {  	v5 =	vsub.s32 $0x5F3759DF, v13;
	v12 =	vmul.f32 v12, v3;
	v3 =	vmul.f32 v11, v4  }
0x57: {  	v11 =	vmul.f32 v5, v9;
	v13 =	vmul.f32 v10, v1;
	v4 =	vmov v10  }
.Ltmp3:
0x58: {  	v10 =	vmul.f32 v3, v2;
	v8 =	vmul.f32 v12, v8;
	v2 =	vmovc v1;
	v1 =	vmov v9;
	(pc) =	sbr.rel @p1 .LBB2_4-.Ltmp3, $4  }
0x59: {  	s31 =	sshra.s32 s30, $0x2;
	v7 =	vadd.f32 v7, v6;
	v11 =	vmul.f32 v5, v11  }
0x5a: {  	v12 =	vmul.f32 v13, v4;
	v6 =	vld [tilespmem:s31+$0x7E80];
	v13 =	vmul.f32 v10, v3;
	[tilespmem:s29+$0xCD80] =	vst v8;
	s29 =	smov.u32 s25;
	s25 =	smov.u32 s24;
	s24 =	smov.u32 s26  }
0x5b: {  	s26 =	smov.u32 s28;
	s28 =	smov.u32 s31;
	v9 =	vadd.f32 $1.000000000e+00, v7;
	v10 =	vsub.f32 $1.500000000e+00, v11;
	v8 =	vld [tilespmem:s29+$0xCD80]  }
0x5c: {  	s30 =	sadd.s32 $0x40, s30;
	v11 =	vsub.f32 $1.500000000e+00, v12;
	v7 =	vld [tilespmem:s28+$0xA600];
	v12 =	vsub.f32 $1.500000000e+00, v13  }
0x5d: {  	v13 =	vshrl.u32 v9, $0x1;
	v46 =	vmul.f32 $5.000000000e-01, v9;
	v5 =	vmul.f32 v5, v10  }
0x5e: {  	v47 =	vsub.s32 $0x5F3759DF, v13;
	v4 =	vmul.f32 v11, v4;
	v3 =	vmul.f32 v12, v3  }
0x5f: {  	v48 =	vmul.f32 v47, v46;
	v49 =	vmul.f32 v5, v1  }
0x60: {  	v2 =	vmul.f32 v4, v2;
	v3 =	vmul.f32 v3, v8  }
0x61: {  	v6 =	vadd.f32 v7, v6;
	v50 =	vmul.f32 v47, v48  }
0x62: {  	v51 =	vmul.f32 v49, v5;
	v2 =	vmul.f32 v2, v4;
	[tilespmem:s29+$0xCD80] =	vst v3  }
0x63: {  	v3 =	vadd.f32 $1.000000000e+00, v6;
	v52 =	vsub.f32 $1.500000000e+00, v50;
	v53 =	vld [tilespmem:s25+$0xCD80]  }
0x64: {  	v8 =	vsub.f32 $1.500000000e+00, v51;
	v2 =	vsub.f32 $1.500000000e+00, v2  }
0x65: {  	v54 =	vshrl.u32 v3, $0x1;
	v3 =	vmul.f32 $5.000000000e-01, v3;
	v6 =	vmul.f32 v47, v52  }
0x66: {  	v5 =	vmul.f32 v8, v5;
	v55 =	vsub.s32 $0x5F3759DF, v54;
	v2 =	vmul.f32 v2, v4  }
0x67: {  	v56 =	vmul.f32 v55, v3;
	v57 =	vmul.f32 v6, v46  }
0x68: {  	v1 =	vmul.f32 v5, v1;
	v2 =	vmul.f32 v2, v53  }
0x69: {  	v4 =	vmul.f32 v55, v56  }
0x6a: {  	v58 =	vmul.f32 v57, v6;
	v1 =	vmul.f32 v1, v5;
	[tilespmem:s25+$0xCD80] =	vst v2  }
0x6b: {  	v2 =	vsub.f32 $1.500000000e+00, v4;
	v59 =	vld [tilespmem:s24+$0xCD80]  }
0x6c: {  	v7 =	vsub.f32 $1.500000000e+00, v58;
	v1 =	vsub.f32 $1.500000000e+00, v1  }
0x6d: {  	v2 =	vmul.f32 v55, v2  }
0x6e: {  	v6 =	vmul.f32 v7, v6;
	v1 =	vmul.f32 v1, v5  }
0x6f: {  	v60 =	vmul.f32 v2, v3  }
0x70: {  	v7 =	vmul.f32 v6, v46;
	v1 =	vmul.f32 v1, v59;
	_ =	sdelay $0x1  }
0x71: {  	v61 =	vmul.f32 v60, v2;
	v62 =	vmul.f32 v7, v6;
	[tilespmem:s24+$0xCD80] =	vst v1  }
0x72: {  	v1 =	vld [tilespmem:s26+$0xCD80]  }
0x73: {  	v4 =	vsub.f32 $1.500000000e+00, v61;
	v5 =	vsub.f32 $1.500000000e+00, v62;
	_ =	sdelay $0x1  }
0x74: {  	v2 =	vmul.f32 v4, v2;
	v63 =	vmul.f32 v5, v6;
	_ =	sdelay $0x1  }
0x75: {  	v3 =	vmul.f32 v2, v3;
	v1 =	vmul.f32 v63, v1;
	_ =	sdelay $0x1  }
0x76: {  	v3 =	vmul.f32 v3, v2;
	[tilespmem:s26+$0xCD80] =	vst v1  }
0x77: {  	v1 =	vld [tilespmem:s28+$0xCD80]  }
0x78: {  	v3 =	vsub.f32 $1.500000000e+00, v3;
	_ =	sdelay $0x1  }
0x79: {  	v2 =	vmul.f32 v3, v2;
	_ =	sdelay $0x1  }
0x7a: {  	v1 =	vmul.f32 v2, v1;
	_ =	sdelay $0x1  }
0x7b: {  	[tilespmem:s28+$0xCD80] =	vst v1  }
0x7c: {  	[spmem:s11] =	stream.linear.scatter [tilespmem:s17], [sflag:$0x2], $0x2780, $0x38;
	[tilespmem:$0x14400] =	vst v63  }
.Ltmp4:
0x7d: {  	_ =	swait.ge [sflag:s16], $0x2780;
	(pc) =	sbr.rel @p0 .LBB2_9-.Ltmp4, $3  }
0x7e: {  	[sflag:s16] =	ssyncset.done $0x0  }
0x7f: {  	[sflag:s16] =	ssyncadd.s32 $0xFFFFD880  }
0x80: {  	[bflag:$0x0] =	sbarrier.arrive $0xFFFF;
	_ =	sdelay $0x1  }
0x81: {  	s24 =	simm.s32 $0x0  }
0x82: {  	[tilespmem:s22], [sflag:$0x1] =	stream.indirect.gather [spmem:s3], $0x10, s24, s21, $0xb8;
	[tilespmem:$0x14400] =	vst v63  }
0x83: {  	p1 =	sgt.s32 s12, $0x1;
	_ =	swait.ge [sflag:s23], $0x800  }
.Ltmp5:
0x84: {  	[sflag:s23] =	ssyncset.done $0x0;
	(pc) =	sbr.rel @!p1 .LBB2_8-.Ltmp5, $4  }
0x85: {  	s25 =	simm.s32 $0x2780;
	[sflag:s23] =	ssyncadd.s32 $0xFFFFF800  }
0x86: {  	[spmem:s2] =	stream.indirect.scatter.add.f32 [tilespmem:s22], [sflag:$0x2], $0x10, s25, s21, $0xb8;
	[tilespmem:$0x14400] =	vst v63  }
0x87: {  	_ =	swait.ge [sflag:s16], $0x800  }
0x88: {  	s26 =	simm.s32 $0x2800;
	s25 =	simm.s32 $0x1;
	[sflag:s16] =	ssyncset.done $0x0  }
.LBB2_7:
0x89: {  	s25 =	sadd.s32 $0x1, s25;
	[sflag:s16] =	ssyncadd.s32 $0xFFFFF800;
	s24 =	sadd.s32 $0x80, s24  }
0x8a: {  	[tilespmem:s22], [sflag:$0x1] =	stream.indirect.gather [spmem:s3], $0x10, s24, s21, $0xb8;
	[tilespmem:$0x14400] =	vst v63  }
0x8b: {  	p1 =	slt.s32 s25, s12;
	_ =	swait.ge [sflag:s23], $0x800  }
.Ltmp6:
0x8c: {  	[sflag:s23] =	ssyncset.done $0x0;
	(pc) =	sbr.rel @p1 .LBB2_7-.Ltmp6, $4  }
0x8d: {  	[sflag:s23] =	ssyncadd.s32 $0xFFFFF800  }
0x8e: {  	[spmem:s2] =	stream.indirect.scatter.add.f32 [tilespmem:s22], [sflag:$0x2], $0x10, s26, s21, $0xb8;
	[tilespmem:$0x14400] =	vst v63  }
0x8f: {  	_ =	swait.ge [sflag:s16], $0x800  }
0x90: {  	s26 =	sadd.s32 $0x80, s26;
	[sflag:s16] =	ssyncset.done $0x0  }
.Ltmp7:
0x91: {  	_ = 	snop;
	(pc) =	sbr.rel .LBB2_8-.Ltmp7, $1  }
0x92: {  	_ =	sdelay $0x3  }
.LBB2_10:
0x93: {  	_ =	sfence.sel $0x180000  }
0x94: {  	[bflag:$0x0] =	sbarrier.arrive $0xFFFF  }
0x95: {  	p0 =	sne.s32 s0, $0x0;
	_ =	strace $0x9000004A  }
0x96: {  	s0 =	sadd.s32 @!p0 $0x100000, s1;
	[bflag:$0x2] =	sbarrier.arrive $0xFFFF  }
0x97: {  	[sflag:s0] =	ssyncadd.tile.s32 @!p0 $0x1;
	_ =	shalt  }
.Lfunc_end2:
_tile_overlayer_lowered:
.L_overlay_start_2:
0x98: {  	(tag) =	ssettag $0x2  }
0x99: {  	s0 =	rddreg [dreg:$0x0];
	s2 =	stileid.u32  }
0x9a: {  	s1 =	rddreg [dreg:$0x1];
	p0 =	sne.s32 s2, $0x0  }
0x9b: {  	s3 =	rddreg [dreg:$0x2];
	[bflag:$0x3] =	sbarrier.arrive $0xFFFF;
	s2 =	simm.s32 @!p0 $0x1C02  }
0x9c: {  	[timem:s3], [sflag:s2] =	dma.local @!p0 [hbm:s0], s1  }
0x9d: {  	s0 =	simm.s32 @!p0 $0x2  }
0x9e: {  	_ =	swait.ge @!p0 [sflag:s0], s1  }
0x9f: {  	s1 =	ssub.s32 @!p0 $0x0, s1;
	[sflag:s0] =	ssyncset.done @!p0 $0x0  }
0xa0: {  	[sflag:s0] =	ssyncadd.s32 @!p0 s1  }
0xa1: {  	[bflag:$0x3] =	sbarrier.arrive $0xFFFF  }
0xa2: {  	_ =	shalt  }

// kernel: kernel.14.cloned.1.call-start
scs
__scs_entry_jumppad:
0x0: {  	(pc) =	sbr.rel $0x88, $3  }
0x1: {  	(tag) =	ssettag $0x0;
	lr =	simm.s32 $0x1  }
0x2: {  	[smem:$0x3F95] =	sst lr;
	_ =	strace $0xD0000000  }
0x3: {  	_ = 	snop  }
0x4: {  	_ = 	snop  }
0x5: {  	_ = 	snop  }
0x6: {  	_ = 	snop  }
0x7: {  	_ = 	snop  }
__scs_overlays_trampoline_lowered:
0x8: {  	[smem:$0x3FA4] =	sst s0  }
0x9: {  	[smem:$0x3FA5] =	sst s1  }
0xa: {  	[smem:$0x3FA6] =	sst s2  }
0xb: {  	[smem:$0x3FA7] =	sst s3  }
0xc: {  	[smem:$0x3FA8] =	sst s4  }
0xd: {  	[smem:$0x3FA9] =	sst s5  }
0xe: {  	[smem:$0x3FAA] =	sst s6  }
0xf: {  	[smem:$0x3FAB] =	sst s7  }
0x10: {  	[smem:$0x3FAC] =	sst s8  }
0x11: {  	[smem:$0x3FAD] =	sst s9;
	s0 =	simm.s32 @!p0 $0x0  }
0x12: {  	s1 =	sld [smem:$0x3F93];
	s0 =	simm.s32 @p0 $0x1  }
0x13: {  	[smem:$0x3FAE] =	sst s0;
	s0 =	simm.s32 @!p1 $0x0  }
0x14: {  	s2 =	sld [smem:$0x3F92];
	s0 =	simm.s32 @p1 $0x1  }
0x15: {  	[smem:$0x3FAF] =	sst s0;
	s0 =	simm.s32 @!p2 $0x0  }
0x16: {  	s3 =	sld [smem:$0x3FDB];
	s0 =	simm.s32 @p2 $0x1  }
0x17: {  	s4 =	simm.s32 $0x1BF5;
	[smem:$0x3FB1] =	sst s0  }
0x18: {  	s0 =	sld [smem:$0x3F94];
	_ =	swait.ge [sflag:s4], $0x0  }
0x19: {  	s7 =	sld [smem:$0x3F95]  }
0x1a: {  	s8 =	sadd.s32 $0xFFFFE003, lr  }
0x1b: {  	s9 =	sadd.s32 $0xFFFFFEF7, lr;
	s5 =	simm.s32 $0xFFFFFFFF;
	p2 =	slt.u32 s8, $0xFFFFF086  }
0x1c: {  	p1 =	slt.u32 s9, $0xF7A;
	s5 =	simm.s32 @!p2 $0x0  }
0x1d: {  	s5 =	simm.s32 @p1 $0x1;
	p0 =	seq.s32 s7, s2  }
0x1e: {  	s7 =	smul.u32 @!p0 $0xF7A, s2;
	p2 =	seq.s32 @!p0 s5, $0x0  }
0x1f: {  	s9 =	smul.u32 $0xF7A, s1;
	s8 =	simm.s32 @!p0 $0x1BF5;
	p2 =	por !p2, p0  }
0x20: {  	[sflag:s8] =	ssyncset.s32 @!p0 $0xFFFFF086;
	s6 =	sadd.s32 @!p0 s3, s7;
	s7 =	simm.s32 @!p0 $0x108  }
0x21: {  	s3 =	sadd.s32 s3, s9;
	s6 =	sadd.s32 @!p0 $0x88, s6;
	s7 =	simm.s32 @p2 $0x1082  }
0x22: {  	[simem:s7], [sflag:s8] =	dma.local @!p0 [hbm:s6], $0xF7A  }
0x23: {  	s9 =	sor.u32 $0xD0000000, s2;
	s6 =	simm.s32 $0x108;
	_ =	swait.ge @!p0 [sflag:s8], $0x0  }
0x24: {  	s3 =	sadd.s32 $0x88, s3;
	s6 =	simm.s32 @!p1 $0x1082;
	[sflag:s4] =	ssyncset.s32 $0xFFFFF086  }
0x25: {  	[simem:s6], [sflag:s4] =	dma.local [hbm:s3], $0xF7A  }
0x26: {  	[smem:$0x3F95] =	sst s1;
	(tag) =	ssettag s2;
	_ =	strace s9  }
0x27: {  	s1 =	sld [smem:$0x3FA5]  }
0x28: {  	s2 =	sld [smem:$0x3FA6]  }
0x29: {  	s4 =	sld [smem:$0x3FA8]  }
0x2a: {  	p0 =	seq.s32 s5, $0x0;
	s5 =	sld [smem:$0x3FA9]  }
0x2b: {  	s6 =	sld [smem:$0x3FAA]  }
0x2c: {  	s7 =	sld [smem:$0x3FAB]  }
0x2d: {  	s3 =	simm.s32 $0x108;
	s8 =	sld [smem:$0x3FAC]  }
0x2e: {  	s3 =	simm.s32 @!p0 $0x1082;
	s9 =	sld [smem:$0x3FAD]  }
0x2f: {  	lr =	sadd.s32 s0, s3;
	s0 =	sld [smem:$0x3FA4]  }
0x30: {  	s3 =	sld [smem:$0x3FA7]  }
0x31: {  	[smem:$0x3FB0] =	sst s10  }
0x32: {  	s10 =	sld [smem:$0x3FAE];
	_ =	sdelay $0x3  }
0x33: {  	p0 =	seq.s32 s10, $0x1;
	s10 =	sld [smem:$0x3FB0];
	_ =	sdelay $0x3  }
0x34: {  	[smem:$0x3FB0] =	sst s10  }
0x35: {  	s10 =	sld [smem:$0x3FAF];
	_ =	sdelay $0x3  }
0x36: {  	p1 =	seq.s32 s10, $0x1;
	s10 =	sld [smem:$0x3FB0];
	_ =	sdelay $0x3  }
0x37: {  	[smem:$0x3FB0] =	sst s10  }
0x38: {  	s10 =	sld [smem:$0x3FB1]  }
0x39: {  	_ = 	snop;
	(pc) =	sbr.ind lr, $3  }
0x3a: {  	_ = 	snop  }
0x3b: {  	_ = 	snop  }
0x3c: {  	p2 =	seq.s32 s10, $0x1;
	s10 =	sld [smem:$0x3FB0]  }
0x3d: {  	_ =	shalt  }
0x3e: {  	_ =	shalt  }
0x3f: {  	_ =	shalt  }
0x40: {  	_ =	shalt  }
0x41: {  	_ =	shalt  }
0x42: {  	_ =	shalt  }
0x43: {  	_ =	shalt  }
0x44: {  	_ =	shalt  }
0x45: {  	_ =	shalt  }
0x46: {  	_ =	shalt  }
0x47: {  	_ =	shalt  }
0x48: {  	_ =	shalt  }
0x49: {  	_ =	shalt  }
0x4a: {  	_ =	shalt  }
0x4b: {  	_ =	shalt  }
0x4c: {  	_ =	shalt  }
0x4d: {  	_ =	shalt  }
0x4e: {  	_ =	shalt  }
0x4f: {  	_ =	shalt  }
0x50: {  	_ =	shalt  }
0x51: {  	_ =	shalt  }
0x52: {  	_ =	shalt  }
0x53: {  	_ =	shalt  }
0x54: {  	_ =	shalt  }
0x55: {  	_ =	shalt  }
0x56: {  	_ =	shalt  }
0x57: {  	_ =	shalt  }
0x58: {  	_ =	shalt  }
0x59: {  	_ =	shalt  }
0x5a: {  	_ =	shalt  }
0x5b: {  	_ =	shalt  }
0x5c: {  	_ =	shalt  }
0x5d: {  	_ =	shalt  }
0x5e: {  	_ =	shalt  }
0x5f: {  	_ =	shalt  }
0x60: {  	_ =	shalt  }
0x61: {  	_ =	shalt  }
0x62: {  	_ =	shalt  }
0x63: {  	_ =	shalt  }
0x64: {  	_ =	shalt  }
0x65: {  	_ =	shalt  }
0x66: {  	_ =	shalt  }
0x67: {  	_ =	shalt  }
0x68: {  	_ =	shalt  }
0x69: {  	_ =	shalt  }
0x6a: {  	_ =	shalt  }
0x6b: {  	_ =	shalt  }
0x6c: {  	_ =	shalt  }
0x6d: {  	_ =	shalt  }
0x6e: {  	_ =	shalt  }
0x6f: {  	_ =	shalt  }
0x70: {  	_ =	shalt  }
0x71: {  	_ =	shalt  }
0x72: {  	_ =	shalt  }
0x73: {  	_ =	shalt  }
0x74: {  	_ =	shalt  }
0x75: {  	_ =	shalt  }
0x76: {  	_ =	shalt  }
0x77: {  	_ =	shalt  }
0x78: {  	_ =	shalt  }
0x79: {  	_ =	shalt  }
0x7a: {  	_ =	shalt  }
0x7b: {  	_ =	shalt  }
0x7c: {  	_ =	shalt  }
0x7d: {  	_ =	shalt  }
0x7e: {  	_ =	shalt  }
0x7f: {  	_ =	shalt  }
0x80: {  	_ =	shalt  }
0x81: {  	_ =	shalt  }
0x82: {  	_ =	shalt  }
0x83: {  	_ =	shalt  }
0x84: {  	_ =	shalt  }
0x85: {  	_ =	shalt  }
0x86: {  	_ =	shalt  }
0x87: {  	_ =	shalt  }
.Lfunc_end0:
.L_simem_size_0:
called_computation.2_lowered:
.L_overlay_start_0:
0x88: {  	s2 =	sld [smem:$0x3FD9]  }
0x89: {  	s3 =	sld [smem:$0x3FFE];
	_ =	sdelay $0x1  }
0x8a: {  	s1 =	srdreg.scid  }
0x8b: {  	s0 =	sand.u32 $0x1, s1  }
0x8c: {  	s17 =	sshll.u32 s0, $0xA;
	s2 =	sadd.s32 s3, s2  }
0x8d: {  	s2 =	sadd.s32 s2, s17  }
0x8e: {  	[smem:$0x3FBC] =	sst s2  }
0x8f: {  	_ = 	snop  }
0x90: {  	s2 =	sld [smem:$0x3FD0];
	(tm) =	ssettm $0x1  }
0x91: {  	s18 =	sld [smem:$0x3FFB];
	_ =	sdelay $0x3  }
0x92: {  	_ =	strace s18  }
0x93: {  	s3 =	sld [smem:$0x3FFC];
	_ =	sdelay $0x3  }
0x94: {  	_ =	strace s3  }
0x95: {  	s3 =	sld [smem:$0x3FFD];
	_ =	sdelay $0x3  }
0x96: {  	_ =	strace s3  }
0x97: {  	_ =	strace $0x8FFFFFFF  }
0x98: {  	s19 =	sld [smem:$0x3FDB];
	_ =	sdelay $0x1  }
0x99: {  	s4 =	simm.s32 $_scs_section_size  }
0x9a: {  	s5 =	simm.s32 $_size__tile_overlayer_lowered;
	s6 =	simm.s32 $_tile_overlayer_lowered  }
0x9b: {  	s22 =	simm.s32 $0x1BFF;
	s21 =	sshll.u32 s6, $0x1;
	s3 =	sadd.s32 s4, s19  }
0x9c: {  	s7 =	simm.s32 $0x0;
	s20 =	sshll.u32 s5, $0x1;
	s5 =	sadd.s32 s21, s3  }
0x9d: {  	[timem:s7], [sflag:s22] =	dma.local [hbm:s5], s20  }
0x9e: {  	_ =	swait.ge [sflag:s22], s20  }
0x9f: {  	s4 =	ssub.s32 $0x0, s20;
	[sflag:s22] =	ssyncset.done $0x0  }
0xa0: {  	[sflag:s22] =	ssyncadd.s32 s4;
	_ =	sdelay $0x1  }
0xa1: {  	s23 =	simm.s32 $0x1B8B  }
0xa2: {  	_ =	swait.ge [sflag:s23], $0x1  }
0xa3: {  	[sflag:s23] =	ssyncset.done $0x0  }
0xa4: {  	s25 =	simm.s32 $0x1B8E;
	s24 =	sld [smem:$0x3FFE];
	[sflag:s23] =	ssyncadd.s32 $0xFFFFFFFF  }
0xa5: {  	s26 =	simm.s32 $execute0_lowered;
	[smem:$0x3FD2] =	sst s25  }
0xa6: {  	s5 =	sshll.u32 s26, $0x1;
	_ =	strace $0x8000004C;
	[dreg:$0x1] =	wrdreg $0xFFFFFFFF  }
0xa7: {  	s28 =	simm.s32 $_size_execute0_lowered;
	s3 =	sadd.s32 s3, s5;
	[dreg:$0x0] =	wrdreg $0x0  }
0xa8: {  	s5 =	sshll.u32 s28, $0x1;
	[dreg:$0x2] =	wrdreg s3  }
0xa9: {  	[dreg:$0x3] =	wrdreg s5  }
0xaa: {  	[dreg:$0x4] =	wrdreg $0xC0  }
0xab: {  	_ =	task [dreg:s7], $0x5FFFF  }
0xac: {  	[dreg:$0x1] =	wrdreg $0xFFFFFFFF  }
0xad: {  	[dreg:$0x0] =	wrdreg $0x60  }
0xae: {  	[dreg:$0x2] =	wrdreg s24  }
0xaf: {  	[dreg:$0x3] =	wrdreg s2  }
0xb0: {  	[dreg:$0x4] =	wrdreg $0x7E800  }
0xb1: {  	[dreg:$0x5] =	wrdreg $0xA6000  }
0xb2: {  	[dreg:$0x6] =	wrdreg $0x9  }
0xb3: {  	_ =	task.clear_ibuf [dreg:s7], $0x7FFFF;
	_ =	strace $0x9000004C  }
0xb4: {  	s29 =	simm.s32 $0x9;
	_ =	strace $0x8000004E  }
0xb5: {  	_ =	swait.ge [sflag:s29], $0x1  }
0xb6: {  	[sflag:s29] =	ssyncadd.s32 $0xFFFFFFFF  }
0xb7: {  	_ =	strace $0x9000004E  }
0xb8: {  	_ =	sfence  }
0xb9: {  	s30 =	sld [smem:$0x0];
	_ =	sdelay $0x2  }
0xba: {  	s31 =	sshll.u32 s1, $0xD;
	s1 =	sshrl.u32 s1, $0x2  }
0xbb: {  	s3 =	sand.u32 $0x4000, s31;
	s1 =	sadd.s32 s1, s30  }
0xbc: {  	s0 =	sor.u32 s3, s0;
	s1 =	sshll.u32 s1, $0x11  }
0xbd: {  	s0 =	sor.u32 s1, s0  }
0xbe: {  	s0 =	sadd.s32 $0x8F2B, s0  }
0xbf: {  	[sflag:s0] =	ssyncadd.remote.s32 $0x1  }
0xc0: {  	_ =	sfence.sel $0xFFFF  }
0xc1: {  	[dreg:$0x0] =	wrdreg $0xFFFFFFFF;
	(pc) =	sbr.abs _section_cstart, $3  }
0xc2: {  	[dreg:$0x1] =	wrdreg $0xFFFFFFFF  }
0xc3: {  	_ =	task.clear_ibuf [dreg:s7], $0x2FFFF;
	_ =	strace $0x9FFFFFFF  }
0xc4: {  	(tm) =	ssettm $0x7FFFFFFF  }
0xc5: {  	_ =	shalt  }
tec
execute0_lowered:
.L_overlay_start_1:
0x0: {  	(tag) =	ssettag $0x1  }
0x1: {  	s5 =	rddreg [dreg:$0x0]  }
0x2: {  	s10 =	rddreg [dreg:$0x1]  }
0x3: {  	s2 =	rddreg [dreg:$0x2]  }
0x4: {  	s0 =	srdreg.scid;
	s3 =	rddreg [dreg:$0x3]  }
0x5: {  	s4 =	simm.s32 $0x0;
	s17 =	simm.s32 $0x4F00;
	s18 =	simm.s32 $0x1  }
0x6: {  	s6 =	sand.u32 $0x1, s0;
	s0 =	stileid.u32;
	[smem:$0x7FF] =	sst s4  }
0x7: {  	s1 =	sshll.u32 s6, $0x4;
	s8 =	smul.u32 $0x2780, s0;
	s12 =	ssub.s32 $0x2, s6  }
0x8: {  	s13 =	smul.u32 $0x27800, s6;
	s31 =	sshll.u32 s0, $0x6;
	s7 =	sor.u32 s0, s1  }
0x9: {  	s1 =	rddreg [dreg:$0x4];
	_ =	strace $0x8000004D;
	s28 =	sshrl.u32 s12, $0x1  }
0xa: {  	s7 =	smul.u32 $0x9C4, s7;
	s11 =	sshrl.u32 s8, $0x3;
	s12 =	ssub.s32 s12, s28  }
0xb: {  	s16 =	sadd.s32 s8, s3;
	s30 =	sadd.s32 s8, s13;
	s13 =	simm.s32 $0x2  }
0xc: {  	s11 =	sadd.s32 s11, s5;
	s9 =	sshrl.u32 s7, $0x1;
	s29 =	sadd.s32 $0x9C4, s7  }
0xd: {  	s14 =	sshrl.u32 s7, $0x5;
	s6 =	sadd.s32 $0x3DE00, s11;
	s11 =	sshrl.u32 s30, $0x3  }
.Ltmp0:
0xe: {  	s9 =	sand.u32 $0xFFF0, s9;
	s15 =	sshrl.u32 s29, $0x5;
	(pc) =	sbr.rel .LBB2_1-.Ltmp0, $4  }
0xf: {  	s10 =	sadd.s32 s10, s11;
	s11 =	smax.u32 s12, $0x1;
	s9 =	sadd.s32 s9, s5  }
0x10: {  	s12 =	simm.s32 $0x5700;
	s5 =	sadd.s32 s8, s2;
	s7 =	sadd.s32 $0xC800, s9  }
0x11: {  	s8 =	sadd.s32 $0x2A00, s9;
	s9 =	ssub.s32 s15, s14;
	s14 =	sor.u32 $0x1C02, s31  }
0x12: {  	v0 =	vimm.f32 $0.0e+00;
	s15 =	sshrl.u32 s16, $0x3;
	s16 =	simm.s32 $0x80;
	p0 =	slt.s32 s9, $0x1  }
.LBB2_6:
0x13: {  	[sflag:s13] =	ssyncadd.s32 $0xFFFFF800  }
.LBB2_7:
0x14: {  	s4 =	sadd.s32 $0x1, s4  }
0x15: {  	p1 =	sne.s32 s4, s11  }
.Ltmp1:
0x16: {  	[bflag:$0x0] =	sbarrier.arrive $0xFFFF;
	s19 =	sshrl.u32 s5, $0x3;
	(pc) =	sbr.rel @!p1 .LBB2_8-.Ltmp1, $4  }
0x17: {  	[hbm:s10], [sflag:s14] =	dma.local [spmem:s19], $0x4F0  }
0x18: {  	_ =	swait.ge [sflag:s13], $0x4F0  }
0x19: {  	[sflag:s13] =	ssyncset.done $0x0  }
0x1a: {  	[sflag:s13] =	ssyncadd.s32 $0xFFFFFB10  }
.LBB2_1:
0x1b: {  	s19 =	simm.s32 $0x40;
	s20 =	simm.s32 $0x0  }
.LBB2_2:
0x1c: {  	p1 =	sne.s32 s19, $0x9DC0;
	[tilespmem:s20+$0x5700] =	vst v0;
	s20 =	smov.u32 s19;
	s19 =	sadd.s32 $0x40, s19  }
.Ltmp2:
0x1d: {  	(pc) =	sbr.rel @p1 .LBB2_2-.Ltmp2, $2  }
0x1e: {  	_ =	sdelay $0x2  }
0x1f: {  	s20 =	sshra.s32 s20, $0x2  }
0x20: {  	[tilespmem:s20+$0x5700] =	vst v0  }
0x21: {  	[spmem:s5] =	stream.linear.scatter [tilespmem:s12], [sflag:$0x2], $0x2780, $0x38;
	[tilespmem:$0xCD80] =	vst v63  }
0x22: {  	_ =	swait.ge [sflag:s13], $0x2780  }
0x23: {  	[sflag:s13] =	ssyncset.done $0x0  }
0x24: {  	[sflag:s13] =	ssyncadd.s32 $0xFFFFD880  }
0x25: {  	[spmem:s15], [sflag:s14] =	dma.local [hbm:s6], $0x4F0  }
0x26: {  	_ =	swait.ge [sflag:s13], $0x4F0  }
0x27: {  	[sflag:s13] =	ssyncset.done $0x0  }
0x28: {  	s19 =	simm.s32 $0x0;
	[sflag:s13] =	ssyncadd.s32 $0xFFFFFB10  }
0x29: {  	[tilespmem:s19], [sflag:$0x2] =	stream.linear.gather [hbm4b:s7+s19], $0x2780, $0x38;
	[tilespmem:$0xCD80] =	vst v63  }
0x2a: {  	_ =	swait.ge [sflag:s13], $0x2780  }
0x2b: {  	[sflag:s13] =	ssyncset.done $0x0  }
0x2c: {  	s21 =	simm.s32 $0x2780;
	[sflag:s13] =	ssyncadd.s32 $0xFFFFD880  }
0x2d: {  	[tilespmem:s21], [sflag:$0x2] =	stream.linear.gather [hbm4b:s8+s19], $0x2780, $0x38;
	[tilespmem:$0xCD80] =	vst v63  }
.Ltmp3:
0x2e: {  	_ =	swait.ge [sflag:s13], $0x2780;
	(pc) =	sbr.rel @p0 .LBB2_7-.Ltmp3, $3  }
0x2f: {  	[sflag:s13] =	ssyncset.done $0x0  }
0x30: {  	[sflag:s13] =	ssyncadd.s32 $0xFFFFD880  }
0x31: {  	[bflag:$0x0] =	sbarrier.arrive $0xFFFF;
	_ =	sdelay $0x1  }
0x32: {  	[tilespmem:s17], [sflag:$0x1] =	stream.indirect.gather [spmem:s3], $0x10, s19, s16, $0xb8;
	[tilespmem:$0xCD80] =	vst v63  }
0x33: {  	s20 =	sadd.s32 $0x1, s19  }
0x34: {  	_ =	swait.ge [sflag:s18], $0x800;
	p1 =	slt.s32 s20, s9  }
.Ltmp4:
0x35: {  	[sflag:s18] =	ssyncset.done $0x0;
	(pc) =	sbr.rel @!p1 .LBB2_6-.Ltmp4, $4  }
0x36: {  	[sflag:s18] =	ssyncadd.s32 $0xFFFFF800  }
0x37: {  	[spmem:s2] =	stream.indirect.scatter.add.f32 [tilespmem:s17], [sflag:$0x2], $0x10, s21, s16, $0xb8;
	[tilespmem:$0xCD80] =	vst v63  }
0x38: {  	_ =	swait.ge [sflag:s13], $0x800  }
0x39: {  	s21 =	sadd.s32 $0x80, s21;
	[sflag:s13] =	ssyncset.done $0x0  }
.LBB2_5:
0x3a: {  	s20 =	sadd.s32 $0x1, s20;
	[sflag:s13] =	ssyncadd.s32 $0xFFFFF800;
	s19 =	sadd.s32 $0x80, s19  }
0x3b: {  	[tilespmem:s17], [sflag:$0x1] =	stream.indirect.gather [spmem:s3], $0x10, s19, s16, $0xb8;
	[tilespmem:$0xCD80] =	vst v63  }
0x3c: {  	p1 =	slt.s32 s20, s9;
	_ =	swait.ge [sflag:s18], $0x800  }
.Ltmp5:
0x3d: {  	[sflag:s18] =	ssyncset.done $0x0;
	(pc) =	sbr.rel @p1 .LBB2_5-.Ltmp5, $4  }
0x3e: {  	[sflag:s18] =	ssyncadd.s32 $0xFFFFF800  }
0x3f: {  	[spmem:s2] =	stream.indirect.scatter.add.f32 [tilespmem:s17], [sflag:$0x2], $0x10, s21, s16, $0xb8;
	[tilespmem:$0xCD80] =	vst v63  }
0x40: {  	_ =	swait.ge [sflag:s13], $0x800  }
0x41: {  	s21 =	sadd.s32 $0x80, s21;
	[sflag:s13] =	ssyncset.done $0x0  }
.Ltmp6:
0x42: {  	_ = 	snop;
	(pc) =	sbr.rel .LBB2_6-.Ltmp6, $1  }
0x43: {  	_ =	sdelay $0x3  }
.LBB2_8:
0x44: {  	_ =	sfence.sel $0x180000  }
0x45: {  	[bflag:$0x0] =	sbarrier.arrive $0xFFFF  }
0x46: {  	p0 =	sne.s32 s0, $0x0;
	_ =	strace $0x9000004D  }
0x47: {  	s0 =	sadd.s32 @!p0 $0x100000, s1;
	[bflag:$0x2] =	sbarrier.arrive $0xFFFF  }
0x48: {  	[sflag:s0] =	ssyncadd.tile.s32 @!p0 $0x1;
	_ =	shalt  }
.Lfunc_end2:
_tile_overlayer_lowered:
.L_overlay_start_2:
0x49: {  	(tag) =	ssettag $0x2  }
0x4a: {  	s0 =	rddreg [dreg:$0x0];
	s2 =	stileid.u32  }
0x4b: {  	s1 =	rddreg [dreg:$0x1];
	p0 =	sne.s32 s2, $0x0  }
0x4c: {  	s3 =	rddreg [dreg:$0x2];
	[bflag:$0x3] =	sbarrier.arrive $0xFFFF;
	s2 =	simm.s32 @!p0 $0x1C02  }
0x4d: {  	[timem:s3], [sflag:s2] =	dma.local @!p0 [hbm:s0], s1  }
0x4e: {  	s0 =	simm.s32 @!p0 $0x2  }
0x4f: {  	_ =	swait.ge @!p0 [sflag:s0], s1  }
0x50: {  	s1 =	ssub.s32 @!p0 $0x0, s1;
	[sflag:s0] =	ssyncset.done @!p0 $0x0  }
0x51: {  	[sflag:s0] =	ssyncadd.s32 @!p0 s1  }
0x52: {  	[bflag:$0x3] =	sbarrier.arrive $0xFFFF  }
0x53: {  	_ =	shalt  }

// kernel: kernel.8.cloned.1.call-start
scs
__scs_entry_jumppad:
0x0: {  	(pc) =	sbr.rel $0x88, $3  }
0x1: {  	(tag) =	ssettag $0x0;
	lr =	simm.s32 $0x1  }
0x2: {  	[smem:$0x3F95] =	sst lr;
	_ =	strace $0xD0000000  }
0x3: {  	_ = 	snop  }
0x4: {  	_ = 	snop  }
0x5: {  	_ = 	snop  }
0x6: {  	_ = 	snop  }
0x7: {  	_ = 	snop  }
__scs_overlays_trampoline_lowered:
0x8: {  	[smem:$0x3FA4] =	sst s0  }
0x9: {  	[smem:$0x3FA5] =	sst s1  }
0xa: {  	[smem:$0x3FA6] =	sst s2  }
0xb: {  	[smem:$0x3FA7] =	sst s3  }
0xc: {  	[smem:$0x3FA8] =	sst s4  }
0xd: {  	[smem:$0x3FA9] =	sst s5  }
0xe: {  	[smem:$0x3FAA] =	sst s6  }
0xf: {  	[smem:$0x3FAB] =	sst s7  }
0x10: {  	[smem:$0x3FAC] =	sst s8  }
0x11: {  	[smem:$0x3FAD] =	sst s9;
	s0 =	simm.s32 @!p0 $0x0  }
0x12: {  	s1 =	sld [smem:$0x3F93];
	s0 =	simm.s32 @p0 $0x1  }
0x13: {  	[smem:$0x3FAE] =	sst s0;
	s0 =	simm.s32 @!p1 $0x0  }
0x14: {  	s2 =	sld [smem:$0x3F92];
	s0 =	simm.s32 @p1 $0x1  }
0x15: {  	[smem:$0x3FAF] =	sst s0;
	s0 =	simm.s32 @!p2 $0x0  }
0x16: {  	s3 =	sld [smem:$0x3FDB];
	s0 =	simm.s32 @p2 $0x1  }
0x17: {  	s4 =	simm.s32 $0x1BF5;
	[smem:$0x3FB1] =	sst s0  }
0x18: {  	s0 =	sld [smem:$0x3F94];
	_ =	swait.ge [sflag:s4], $0x0  }
0x19: {  	s7 =	sld [smem:$0x3F95]  }
0x1a: {  	s8 =	sadd.s32 $0xFFFFE003, lr  }
0x1b: {  	s9 =	sadd.s32 $0xFFFFFEF7, lr;
	s5 =	simm.s32 $0xFFFFFFFF;
	p2 =	slt.u32 s8, $0xFFFFF086  }
0x1c: {  	p1 =	slt.u32 s9, $0xF7A;
	s5 =	simm.s32 @!p2 $0x0  }
0x1d: {  	s5 =	simm.s32 @p1 $0x1;
	p0 =	seq.s32 s7, s2  }
0x1e: {  	s7 =	smul.u32 @!p0 $0xF7A, s2;
	p2 =	seq.s32 @!p0 s5, $0x0  }
0x1f: {  	s9 =	smul.u32 $0xF7A, s1;
	s8 =	simm.s32 @!p0 $0x1BF5;
	p2 =	por !p2, p0  }
0x20: {  	[sflag:s8] =	ssyncset.s32 @!p0 $0xFFFFF086;
	s6 =	sadd.s32 @!p0 s3, s7;
	s7 =	simm.s32 @!p0 $0x108  }
0x21: {  	s3 =	sadd.s32 s3, s9;
	s6 =	sadd.s32 @!p0 $0x88, s6;
	s7 =	simm.s32 @p2 $0x1082  }
0x22: {  	[simem:s7], [sflag:s8] =	dma.local @!p0 [hbm:s6], $0xF7A  }
0x23: {  	s9 =	sor.u32 $0xD0000000, s2;
	s6 =	simm.s32 $0x108;
	_ =	swait.ge @!p0 [sflag:s8], $0x0  }
0x24: {  	s3 =	sadd.s32 $0x88, s3;
	s6 =	simm.s32 @!p1 $0x1082;
	[sflag:s4] =	ssyncset.s32 $0xFFFFF086  }
0x25: {  	[simem:s6], [sflag:s4] =	dma.local [hbm:s3], $0xF7A  }
0x26: {  	[smem:$0x3F95] =	sst s1;
	(tag) =	ssettag s2;
	_ =	strace s9  }
0x27: {  	s1 =	sld [smem:$0x3FA5]  }
0x28: {  	s2 =	sld [smem:$0x3FA6]  }
0x29: {  	s4 =	sld [smem:$0x3FA8]  }
0x2a: {  	p0 =	seq.s32 s5, $0x0;
	s5 =	sld [smem:$0x3FA9]  }
0x2b: {  	s6 =	sld [smem:$0x3FAA]  }
0x2c: {  	s7 =	sld [smem:$0x3FAB]  }
0x2d: {  	s3 =	simm.s32 $0x108;
	s8 =	sld [smem:$0x3FAC]  }
0x2e: {  	s3 =	simm.s32 @!p0 $0x1082;
	s9 =	sld [smem:$0x3FAD]  }
0x2f: {  	lr =	sadd.s32 s0, s3;
	s0 =	sld [smem:$0x3FA4]  }
0x30: {  	s3 =	sld [smem:$0x3FA7]  }
0x31: {  	[smem:$0x3FB0] =	sst s10  }
0x32: {  	s10 =	sld [smem:$0x3FAE];
	_ =	sdelay $0x3  }
0x33: {  	p0 =	seq.s32 s10, $0x1;
	s10 =	sld [smem:$0x3FB0];
	_ =	sdelay $0x3  }
0x34: {  	[smem:$0x3FB0] =	sst s10  }
0x35: {  	s10 =	sld [smem:$0x3FAF];
	_ =	sdelay $0x3  }
0x36: {  	p1 =	seq.s32 s10, $0x1;
	s10 =	sld [smem:$0x3FB0];
	_ =	sdelay $0x3  }
0x37: {  	[smem:$0x3FB0] =	sst s10  }
0x38: {  	s10 =	sld [smem:$0x3FB1]  }
0x39: {  	_ = 	snop;
	(pc) =	sbr.ind lr, $3  }
0x3a: {  	_ = 	snop  }
0x3b: {  	_ = 	snop  }
0x3c: {  	p2 =	seq.s32 s10, $0x1;
	s10 =	sld [smem:$0x3FB0]  }
0x3d: {  	_ =	shalt  }
0x3e: {  	_ =	shalt  }
0x3f: {  	_ =	shalt  }
0x40: {  	_ =	shalt  }
0x41: {  	_ =	shalt  }
0x42: {  	_ =	shalt  }
0x43: {  	_ =	shalt  }
0x44: {  	_ =	shalt  }
0x45: {  	_ =	shalt  }
0x46: {  	_ =	shalt  }
0x47: {  	_ =	shalt  }
0x48: {  	_ =	shalt  }
0x49: {  	_ =	shalt  }
0x4a: {  	_ =	shalt  }
0x4b: {  	_ =	shalt  }
0x4c: {  	_ =	shalt  }
0x4d: {  	_ =	shalt  }
0x4e: {  	_ =	shalt  }
0x4f: {  	_ =	shalt  }
0x50: {  	_ =	shalt  }
0x51: {  	_ =	shalt  }
0x52: {  	_ =	shalt  }
0x53: {  	_ =	shalt  }
0x54: {  	_ =	shalt  }
0x55: {  	_ =	shalt  }
0x56: {  	_ =	shalt  }
0x57: {  	_ =	shalt  }
0x58: {  	_ =	shalt  }
0x59: {  	_ =	shalt  }
0x5a: {  	_ =	shalt  }
0x5b: {  	_ =	shalt  }
0x5c: {  	_ =	shalt  }
0x5d: {  	_ =	shalt  }
0x5e: {  	_ =	shalt  }
0x5f: {  	_ =	shalt  }
0x60: {  	_ =	shalt  }
0x61: {  	_ =	shalt  }
0x62: {  	_ =	shalt  }
0x63: {  	_ =	shalt  }
0x64: {  	_ =	shalt  }
0x65: {  	_ =	shalt  }
0x66: {  	_ =	shalt  }
0x67: {  	_ =	shalt  }
0x68: {  	_ =	shalt  }
0x69: {  	_ =	shalt  }
0x6a: {  	_ =	shalt  }
0x6b: {  	_ =	shalt  }
0x6c: {  	_ =	shalt  }
0x6d: {  	_ =	shalt  }
0x6e: {  	_ =	shalt  }
0x6f: {  	_ =	shalt  }
0x70: {  	_ =	shalt  }
0x71: {  	_ =	shalt  }
0x72: {  	_ =	shalt  }
0x73: {  	_ =	shalt  }
0x74: {  	_ =	shalt  }
0x75: {  	_ =	shalt  }
0x76: {  	_ =	shalt  }
0x77: {  	_ =	shalt  }
0x78: {  	_ =	shalt  }
0x79: {  	_ =	shalt  }
0x7a: {  	_ =	shalt  }
0x7b: {  	_ =	shalt  }
0x7c: {  	_ =	shalt  }
0x7d: {  	_ =	shalt  }
0x7e: {  	_ =	shalt  }
0x7f: {  	_ =	shalt  }
0x80: {  	_ =	shalt  }
0x81: {  	_ =	shalt  }
0x82: {  	_ =	shalt  }
0x83: {  	_ =	shalt  }
0x84: {  	_ =	shalt  }
0x85: {  	_ =	shalt  }
0x86: {  	_ =	shalt  }
0x87: {  	_ =	shalt  }
.Lfunc_end0:
.L_simem_size_0:
called_computation_lowered:
.L_overlay_start_0:
0x88: {  	s2 =	sld [smem:$0x3FD9]  }
0x89: {  	s3 =	sld [smem:$0x3FFE];
	_ =	sdelay $0x1  }
0x8a: {  	s1 =	srdreg.scid  }
0x8b: {  	s0 =	sand.u32 $0x1, s1  }
0x8c: {  	s16 =	sshll.u32 s0, $0xA;
	s2 =	sadd.s32 s3, s2  }
0x8d: {  	s2 =	sadd.s32 s2, s16  }
0x8e: {  	[smem:$0x3FBC] =	sst s2  }
0x8f: {  	_ = 	snop  }
0x90: {  	(tm) =	ssettm $0x1  }
0x91: {  	s17 =	sld [smem:$0x3FFB];
	_ =	sdelay $0x3  }
0x92: {  	_ =	strace s17  }
0x93: {  	s2 =	sld [smem:$0x3FFC];
	_ =	sdelay $0x3  }
0x94: {  	_ =	strace s2  }
0x95: {  	s2 =	sld [smem:$0x3FFD];
	_ =	sdelay $0x3  }
0x96: {  	_ =	strace s2  }
0x97: {  	_ =	strace $0x8FFFFFFF  }
0x98: {  	s18 =	sld [smem:$0x3FDB];
	_ =	sdelay $0x1  }
0x99: {  	s19 =	simm.s32 $_scs_section_size  }
0x9a: {  	s4 =	simm.s32 $_size__tile_overlayer_lowered;
	s5 =	simm.s32 $_tile_overlayer_lowered  }
0x9b: {  	s22 =	simm.s32 $0x1BFF;
	s21 =	sshll.u32 s5, $0x1;
	s2 =	sadd.s32 s19, s18  }
0x9c: {  	s6 =	simm.s32 $0x0;
	s20 =	sshll.u32 s4, $0x1;
	s4 =	sadd.s32 s21, s2  }
0x9d: {  	[timem:s6], [sflag:s22] =	dma.local [hbm:s4], s20  }
0x9e: {  	_ =	swait.ge [sflag:s22], s20  }
0x9f: {  	s3 =	ssub.s32 $0x0, s20;
	[sflag:s22] =	ssyncset.done $0x0  }
0xa0: {  	[sflag:s22] =	ssyncadd.s32 s3;
	_ =	sdelay $0x1  }
0xa1: {  	s23 =	simm.s32 $0x1B8B  }
0xa2: {  	_ =	swait.ge [sflag:s23], $0x1  }
0xa3: {  	[sflag:s23] =	ssyncset.done $0x0  }
0xa4: {  	s25 =	simm.s32 $0x1B8E;
	s24 =	sld [smem:$0x3FFE];
	[sflag:s23] =	ssyncadd.s32 $0xFFFFFFFF  }
0xa5: {  	s26 =	simm.s32 $execute0_lowered;
	[smem:$0x3FD2] =	sst s25  }
0xa6: {  	s4 =	sshll.u32 s26, $0x1;
	_ =	strace $0x80000046;
	[dreg:$0x1] =	wrdreg $0xFFFFFFFF  }
0xa7: {  	s28 =	simm.s32 $_size_execute0_lowered;
	s2 =	sadd.s32 s2, s4;
	[dreg:$0x0] =	wrdreg $0x0  }
0xa8: {  	s4 =	sshll.u32 s28, $0x1;
	[dreg:$0x2] =	wrdreg s2  }
0xa9: {  	[dreg:$0x3] =	wrdreg s4  }
0xaa: {  	[dreg:$0x4] =	wrdreg $0xC0  }
0xab: {  	_ =	task [dreg:s6], $0x5FFFF  }
0xac: {  	[dreg:$0x1] =	wrdreg $0xFFFFFFFF  }
0xad: {  	[dreg:$0x0] =	wrdreg $0x60  }
0xae: {  	[dreg:$0x2] =	wrdreg s24  }
0xaf: {  	[dreg:$0x3] =	wrdreg $0x57000  }
0xb0: {  	[dreg:$0x4] =	wrdreg $0x9  }
0xb1: {  	_ =	task.clear_ibuf [dreg:s6], $0x5FFFF;
	_ =	strace $0x90000046  }
0xb2: {  	s29 =	simm.s32 $0x9;
	_ =	strace $0x80000048  }
0xb3: {  	_ =	swait.ge [sflag:s29], $0x1  }
0xb4: {  	[sflag:s29] =	ssyncadd.s32 $0xFFFFFFFF  }
0xb5: {  	_ =	strace $0x90000048  }
0xb6: {  	_ =	sfence  }
0xb7: {  	s30 =	sld [smem:$0x0];
	_ =	sdelay $0x2  }
0xb8: {  	s31 =	sshll.u32 s1, $0xD;
	s1 =	sshrl.u32 s1, $0x2  }
0xb9: {  	s3 =	sand.u32 $0x4000, s31;
	s1 =	sadd.s32 s1, s30  }
0xba: {  	s0 =	sor.u32 s3, s0;
	s1 =	sshll.u32 s1, $0x11  }
0xbb: {  	s0 =	sor.u32 s1, s0  }
0xbc: {  	s0 =	sadd.s32 $0x8F2B, s0  }
0xbd: {  	[sflag:s0] =	ssyncadd.remote.s32 $0x1  }
0xbe: {  	_ =	sfence.sel $0xFFFF  }
0xbf: {  	[dreg:$0x0] =	wrdreg $0xFFFFFFFF;
	(pc) =	sbr.abs _section_cstart, $3  }
0xc0: {  	[dreg:$0x1] =	wrdreg $0xFFFFFFFF  }
0xc1: {  	_ =	task.clear_ibuf [dreg:s6], $0x2FFFF;
	_ =	strace $0x9FFFFFFF  }
0xc2: {  	(tm) =	ssettm $0x7FFFFFFF  }
0xc3: {  	_ =	shalt  }
tec
execute0_lowered:
.L_overlay_start_1:
0x0: {  	(tag) =	ssettag $0x1  }
0x1: {  	s5 =	rddreg [dreg:$0x0]  }
0x2: {  	s0 =	srdreg.scid;
	s2 =	rddreg [dreg:$0x1];
	s3 =	simm.s32 $0x0  }
0x3: {  	s12 =	simm.s32 $0x2780;
	s4 =	sand.u32 $0x1, s0;
	s0 =	stileid.u32  }
0x4: {  	[smem:$0x7FF] =	sst s3;
	s1 =	sshll.u32 s4, $0x4;
	s7 =	smul.u32 $0x2780, s0  }
0x5: {  	s8 =	smul.u32 $0x27800, s4;
	s4 =	ssub.s32 $0x2, s4;
	s13 =	sshll.u32 s0, $0x6  }
0x6: {  	s1 =	sor.u32 s0, s1;
	s10 =	sshrl.u32 s4, $0x1;
	s13 =	sor.u32 $0x1C01, s13  }
0x7: {  	s6 =	smul.u32 $0x9C4, s1;
	s1 =	rddreg [dreg:$0x2];
	_ =	strace $0x80000047  }
0x8: {  	s8 =	sadd.s32 s7, s8;
	s10 =	ssub.s32 s4, s10;
	s4 =	sadd.s32 s7, s2  }
0x9: {  	s8 =	sshrl.u32 s8, $0x3;
	s14 =	sshrl.u32 s4, $0x3;
	s9 =	sshrl.u32 s6, $0x1  }
.Ltmp0:
0xa: {  	s8 =	sadd.s32 s8, s5;
	s31 =	sadd.s32 $0x9C4, s6;
	(pc) =	sbr.rel .LBB2_1-.Ltmp0, $4  }
0xb: {  	s6 =	sshrl.u32 s6, $0x5;
	s9 =	sand.u32 $0xFFF0, s9;
	s11 =	sshrl.u32 s31, $0x5  }
0xc: {  	s7 =	sadd.s32 $0x16600, s8;
	s8 =	smax.u32 s10, $0x1;
	s10 =	simm.s32 $0x1  }
0xd: {  	s9 =	sadd.s32 s9, s5;
	s6 =	ssub.s32 s11, s6;
	s11 =	simm.s32 $0x80  }
0xe: {  	v0 =	vimm.f32 $0.0e+00;
	v1 =	vimm.f32 $1.000000000e+00;
	s5 =	sadd.s32 $0x2A00, s9;
	p0 =	slt.s32 s6, $0x1;
	s9 =	simm.s32 $0x2F80  }
.LBB2_8:
0xf: {  	[sflag:s10] =	ssyncadd.s32 $0xFFFFF800  }
.LBB2_9:
0x10: {  	s3 =	sadd.s32 $0x1, s3  }
0x11: {  	p1 =	sne.s32 s3, s8  }
.Ltmp1:
0x12: {  	[bflag:$0x0] =	sbarrier.arrive $0xFFFF;
	(pc) =	sbr.rel @!p1 .LBB2_10-.Ltmp1, $4  }
0x13: {  	[hbm:s7], [sflag:s13] =	dma.local [spmem:s14], $0x4F0  }
0x14: {  	_ =	swait.ge [sflag:s10], $0x4F0  }
0x15: {  	[sflag:s10] =	ssyncset.done $0x0  }
0x16: {  	[sflag:s10] =	ssyncadd.s32 $0xFFFFFB10  }
.LBB2_1:
0x17: {  	s15 =	simm.s32 $0x0  }
.LBB2_2:
0x18: {  	p1 =	sne.s32 s15, $0x9DC0  }
.Ltmp2:
0x19: {  	_ = 	snop;
	(pc) =	sbr.rel @p1 .LBB2_2-.Ltmp2, $3  }
0x1a: {  	_ =	sdelay $0x1  }
0x1b: {  	s16 =	sshra.s32 s15, $0x2  }
0x1c: {  	s15 =	sadd.s32 $0x40, s15;
	[tilespmem:s16+$0x2F80] =	vst v0  }
0x1d: {  	s15 =	simm.s32 $0x40;
	s16 =	simm.s32 $0x0  }
.LBB2_4:
0x1e: {  	p1 =	sne.s32 s15, $0x1FC0;
	[tilespmem:s16+$0x2780] =	vst v1;
	s16 =	smov.u32 s15;
	s15 =	sadd.s32 $0x40, s15  }
.Ltmp3:
0x1f: {  	(pc) =	sbr.rel @p1 .LBB2_4-.Ltmp3, $2  }
0x20: {  	_ =	sdelay $0x2  }
0x21: {  	s16 =	sshra.s32 s16, $0x2  }
0x22: {  	[tilespmem:s16+$0x2780] =	vst v1  }
0x23: {  	[spmem:s4] =	stream.linear.scatter [tilespmem:s9], [sflag:$0x1], $0x2780, $0x38;
	[tilespmem:$0x7E80] =	vst v63  }
0x24: {  	_ =	swait.ge [sflag:s10], $0x2780  }
0x25: {  	[sflag:s10] =	ssyncset.done $0x0  }
0x26: {  	s15 =	simm.s32 $0x0;
	[sflag:s10] =	ssyncadd.s32 $0xFFFFD880  }
0x27: {  	[tilespmem:s15], [sflag:$0x1] =	stream.linear.gather [hbm4b:s5+s15], $0x2780, $0x38;
	[tilespmem:$0x7E80] =	vst v63  }
.Ltmp4:
0x28: {  	_ =	swait.ge [sflag:s10], $0x2780;
	(pc) =	sbr.rel @p0 .LBB2_9-.Ltmp4, $3  }
0x29: {  	[sflag:s10] =	ssyncset.done $0x0  }
0x2a: {  	[sflag:s10] =	ssyncadd.s32 $0xFFFFD880  }
0x2b: {  	[bflag:$0x0] =	sbarrier.arrive $0xFFFF;
	_ =	sdelay $0x1  }
0x2c: {  	s16 =	sadd.s32 $0x1, s15  }
0x2d: {  	p1 =	slt.s32 s16, s6  }
.Ltmp5:
0x2e: {  	_ = 	snop;
	(pc) =	sbr.rel @!p1 .LBB2_8-.Ltmp5, $4  }
0x2f: {  	_ = 	snop  }
0x30: {  	[spmem:s2] =	stream.indirect.scatter.add.f32 [tilespmem:s12], [sflag:$0x1], $0x10, s15, s11, $0xb8;
	[tilespmem:$0x7E80] =	vst v63  }
0x31: {  	_ =	swait.ge [sflag:s10], $0x800  }
0x32: {  	[sflag:s10] =	ssyncset.done $0x0  }
.LBB2_7:
0x33: {  	s16 =	sadd.s32 $0x1, s16  }
0x34: {  	[sflag:s10] =	ssyncadd.s32 $0xFFFFF800;
	s15 =	sadd.s32 $0x80, s15;
	p1 =	slt.s32 s16, s6  }
.Ltmp6:
0x35: {  	(pc) =	sbr.rel @p1 .LBB2_7-.Ltmp6, $4  }
0x36: {  	_ = 	snop  }
0x37: {  	[spmem:s2] =	stream.indirect.scatter.add.f32 [tilespmem:s12], [sflag:$0x1], $0x10, s15, s11, $0xb8;
	[tilespmem:$0x7E80] =	vst v63  }
0x38: {  	_ =	swait.ge [sflag:s10], $0x800  }
0x39: {  	[sflag:s10] =	ssyncset.done $0x0  }
.Ltmp7:
0x3a: {  	_ = 	snop;
	(pc) =	sbr.rel .LBB2_8-.Ltmp7, $1  }
0x3b: {  	_ =	sdelay $0x3  }
.LBB2_10:
0x3c: {  	_ =	sfence.sel $0x180000  }
0x3d: {  	[bflag:$0x0] =	sbarrier.arrive $0xFFFF  }
0x3e: {  	p0 =	sne.s32 s0, $0x0;
	_ =	strace $0x90000047  }
0x3f: {  	s0 =	sadd.s32 @!p0 $0x100000, s1;
	[bflag:$0x2] =	sbarrier.arrive $0xFFFF  }
0x40: {  	[sflag:s0] =	ssyncadd.tile.s32 @!p0 $0x1;
	_ =	shalt  }
.Lfunc_end2:
_tile_overlayer_lowered:
.L_overlay_start_2:
0x41: {  	(tag) =	ssettag $0x2  }
0x42: {  	s0 =	rddreg [dreg:$0x0];
	s2 =	stileid.u32  }
0x43: {  	s1 =	rddreg [dreg:$0x1];
	p0 =	sne.s32 s2, $0x0  }
0x44: {  	s3 =	rddreg [dreg:$0x2];
	[bflag:$0x3] =	sbarrier.arrive $0xFFFF;
	s2 =	simm.s32 @!p0 $0x1C01  }
0x45: {  	[timem:s3], [sflag:s2] =	dma.local @!p0 [hbm:s0], s1  }
0x46: {  	s0 =	simm.s32 @!p0 $0x1  }
0x47: {  	_ =	swait.ge @!p0 [sflag:s0], s1  }
0x48: {  	s1 =	ssub.s32 @!p0 $0x0, s1;
	[sflag:s0] =	ssyncset.done @!p0 $0x0  }
0x49: {  	[sflag:s0] =	ssyncadd.s32 @!p0 s1  }
0x4a: {  	[bflag:$0x3] =	sbarrier.arrive $0xFFFF  }
0x4b: {  	_ =	shalt  }

</sc_bundles>
